<compile_context>
chip_gen: v7x
topology: tpu7x:2x2x1
jax: 0.10.2.dev20260603
libtpu: 0.0.44.dev20260713+nightly
codegen_flags: <defaults>
</compile_context>

<pallas_src>
import functools

import jax
import jax.numpy as jnp
from jax import lax
from jax.experimental import pallas as pl
from jax.experimental.pallas import tpu as pltpu
from jax.experimental.pallas import tpu_sc as plsc

D = 64
K = 50
BQ = 4096
BS = 5
STEPS = 4

NC = 2
NS = 16
NW = NC * NS

CHUNK = 128
CN = BQ * 2 // NW
CCH = CN // CHUNK
RPW = BQ * K * 2 // NW
RCH = RPW // CHUNK

SUP_C = 0
SUP_L = 16
SUP_R = 528
SUP_N = 1280
SPW = SUP_N // NW

QB = 128
QG = BQ // QB


def _mm_t(a, b):
    return lax.dot_general(a, b, (((1,), (1,)), ((), ())),
                           preferred_element_type=jnp.float32,
                           precision=lax.Precision.HIGHEST)


def _sc_gather_body(table, icq, il, ir, isup,
                    o_qc, o_l, o_r, o_sup,
                    idx_q, rows_v, idx_s, rows_s, sem):
    wid = lax.axis_index("s") * NC + lax.axis_index("c")

    pltpu.sync_copy(icq.at[pl.ds(wid * CN, CN)], idx_q.at[pl.ds(0, CN)])
    for j in range(CCH):
        pltpu.async_copy(
            table.at[idx_q.at[pl.ds(j * CHUNK, CHUNK)]], rows_v, sem).wait()
        pltpu.sync_copy(rows_v, o_qc.at[pl.ds(wid * CN + j * CHUNK, CHUNK)])

    for iseg, oseg in ((il, o_l), (ir, o_r)):
        pltpu.sync_copy(iseg.at[pl.ds(wid * RPW, RPW)], idx_q)

        def body(i, _, oseg=oseg):
            pltpu.async_copy(
                table.at[idx_q.at[pl.ds(i * CHUNK, CHUNK)]], rows_v,
                sem).wait()
            pltpu.sync_copy(
                rows_v, oseg.at[pl.ds(wid * RPW + i * CHUNK, CHUNK)])
            return 0

        lax.fori_loop(0, RCH, body, 0)

    pltpu.sync_copy(isup.at[pl.ds(wid * SPW, SPW)], idx_s)
    pltpu.async_copy(table.at[idx_s], rows_s, sem).wait()
    pltpu.sync_copy(rows_s, o_sup.at[pl.ds(wid * SPW, SPW)])


@functools.cache
def _sc_gather():
    row = lambda n: jax.ShapeDtypeStruct((n, D), jnp.float32)
    return pl.kernel(
        _sc_gather_body,
        out_type=[row(BQ * 2), row(BQ * K * 2), row(BQ * K * 2), row(SUP_N)],
        mesh=plsc.VectorSubcoreMesh(core_axis_name="c", subcore_axis_name="s"),
        scratch_types=[
            pltpu.VMEM((RPW,), jnp.int32),
            pltpu.VMEM((CHUNK, D), jnp.float32),
            pltpu.VMEM((SPW,), jnp.int32),
            pltpu.VMEM((SPW, D), jnp.float32),
            pltpu.SemaphoreType.DMA,
        ],
        compiler_params=pltpu.CompilerParams(use_tc_tiling_on_sc=False),
    )


def _neighbor(feats2, center, deg, gw, wb, gb, cw1, cb1, cw2, cb2, temp, nb):
    out2 = _mm_t(feats2, gw) + wb
    out3 = out2.reshape(nb, K, D)
    logits = jnp.sum(out3 * center[:, None, :], axis=2) * (1.0 / (D ** 0.5))
    degc = jnp.maximum(deg, 1)
    mask = lax.broadcasted_iota(jnp.int32, (nb, K), 1) < degc
    logits = jnp.where(mask, logits, -1e9)
    m = jnp.max(logits, axis=1, keepdims=True)
    e = jnp.exp(logits - m)
    att = e / jnp.sum(e, axis=1, keepdims=True)
    agg = jnp.sum(att[:, :, None] * out3, axis=1)
    gh = jnp.maximum(_mm_t(agg, cw1) + cb1, 0.0)
    gate = jax.nn.sigmoid(
        (jnp.sum(gh * cw2, axis=1, keepdims=True) + cb2) / temp)
    return gate * jnp.tanh(agg + gb) + (1.0 - gate) * jnp.tanh(center)


def _encode(x, w1, b1, w2, b2, lng, lnb):
    h = jnp.maximum(_mm_t(x, w1) + b1, 0.0)
    y = x + _mm_t(h, w2) + b2
    mu = jnp.mean(y, axis=-1, keepdims=True)
    var = jnp.mean((y - mu) ** 2, axis=-1, keepdims=True)
    return lng * (y - mu) * lax.rsqrt(var + 1e-6) + lnb


def _support_body(sup, sld, srd, gw, wb, gb, cw1, cb1, cw2, cb2, temp,
                  sw1, sb1, sw2, sb2, lng, lnb, out):
    rows = sup[...]
    args = (gw[...], wb[...], gb[...], cw1[...], cb1[...], cw2[...],
            cb2[0, 0], temp[0, 0])
    cb = rows[SUP_C // 2:SUP_C // 2 + BS]
    fl = rows[SUP_L // 2:SUP_L // 2 + BS * K]
    fr = rows[SUP_R // 2:SUP_R // 2 + BS * K]
    sl = _neighbor(fl, cb[:, :D], sld[...], *args, nb=BS)
    sr = _neighbor(fr, cb[:, D:], srd[...], *args, nb=BS)
    x = jnp.concatenate([sl, sr], axis=1)
    sg = _encode(x, sw1[...], sb1[...], sw2[...], sb2[...], lng[...], lnb[...])
    out[...] = jnp.mean(sg, axis=0, keepdims=True)


def _query_body(qc, fl, fr, qld, qrd, sgr, gw, wb, gb,
                cw1, cb1, cw2, cb2, temp, sw1, sb1, sw2, sb2, lng, lnb,
                wih, whh, bih, bhh, out):
    args = (gw[...], wb[...], gb[...], cw1[...], cb1[...], cw2[...],
            cb2[0, 0], temp[0, 0])
    cb = qc[...]
    ql = _neighbor(fl[...], cb[:, :D], qld[...], *args, nb=QB)
    qr = _neighbor(fr[...], cb[:, D:], qrd[...], *args, nb=QB)
    x = jnp.concatenate([ql, qr], axis=1)
    qg = _encode(x, sw1[...], sb1[...], sw2[...], sb2[...], lng[...], lnb[...])

    sg = sgr[...]
    whh_v = whh[...]
    dm = 2 * D
    xw = _mm_t(qg, wih[...]) + bih[...] + bhh[...]
    r_term = _mm_t(sg, whh_v[:, dm:])

    hid = 2 * dm
    c = jnp.zeros((QB, hid), jnp.float32)
    h = qg
    for step in range(STEPS):
        if step == 0:
            gates = xw
        else:
            gates = xw + _mm_t(h, whh_v[:, :dm]) + r_term
        ig = gates[:, :hid]
        fg = gates[:, hid:2 * hid]
        gg = gates[:, 2 * hid:3 * hid]
        og = gates[:, 3 * hid:]
        c = jax.nn.sigmoid(fg) * c + jax.nn.sigmoid(ig) * jnp.tanh(gg)
        h2 = jax.nn.sigmoid(og) * jnp.tanh(c)
        h = qg + h2[:, :dm]
    out[...] = jnp.sum(h * sg, axis=1, keepdims=True)


def _full(shape):
    return pl.BlockSpec(shape, lambda i: (0,) * len(shape))


@functools.cache
def _support_call():
    v = pl.BlockSpec()
    s = pl.BlockSpec(memory_space=pltpu.SMEM)
    return pl.pallas_call(
        _support_body,
        in_specs=[v, v, v, v, v, v, v, v, v, s, s, v, v, v, v, v, v],
        out_shape=jax.ShapeDtypeStruct((1, 2 * D), jnp.float32),
    )


@functools.cache
def _query_call():
    blk = lambda shape: pl.BlockSpec(shape, lambda i: (i,) + (0,) * (len(shape) - 1))
    w = _full
    return pl.pallas_call(
        _query_body,
        grid=(QG,),
        in_specs=[
            blk((QB, 2 * D)),
            blk((QB * K, 2 * D)), blk((QB * K, 2 * D)),
            blk((QB, 1)), blk((QB, 1)),
            w((1, 2 * D)),
            w((D, 2 * D)), w((1, D)), w((1, D)),
            w((D // 2, D)), w((1, D // 2)), w((1, D // 2)),
            pl.BlockSpec(memory_space=pltpu.SMEM),
            pl.BlockSpec(memory_space=pltpu.SMEM),
            w((4 * D, 2 * D)), w((1, 4 * D)), w((2 * D, 4 * D)), w((1, 2 * D)),
            w((1, 2 * D)), w((1, 2 * D)),
            w((16 * D, 2 * D)), w((16 * D, 4 * D)), w((1, 16 * D)),
            w((1, 16 * D)),
        ],
        out_specs=blk((QB, 1)),
        out_shape=jax.ShapeDtypeStruct((BQ, 1), jnp.float32),
    )


def kernel(query, support, query_left_connections, query_left_degrees,
           query_right_connections, query_right_degrees,
           support_left_connections, support_left_degrees,
           support_right_connections, support_right_degrees,
           symbol_emb, gcn_w_W, gcn_w_b, gcn_b, gate_temp,
           cg_W1, cg_b1, cg_W2, cg_b2,
           se_W1, se_b1, se_W2, se_b2, se_ln_g, se_ln_b,
           qe_W_ih, qe_W_hh, qe_b_ih, qe_b_hh):
    i32 = jnp.int32
    icq = query.astype(i32).reshape(-1)
    il = query_left_connections.astype(i32).reshape(-1)
    ir = query_right_connections.astype(i32).reshape(-1)

    pad = lambda a, n: jnp.pad(a.astype(i32).reshape(-1), (0, n))
    isup = jnp.concatenate([
        pad(support, 6),
        pad(support_left_connections, 12),
        pad(support_right_connections, 252),
    ])

    (qc, cl, cr, sup) = _sc_gather()(symbol_emb, icq, il, ir, isup)

    r2 = lambda a, s: a.astype(jnp.float32).reshape(s)
    gw = gcn_w_W
    wb = r2(gcn_w_b, (1, D))
    gb = r2(gcn_b, (1, D))
    cb1 = r2(cg_b1, (1, D // 2))
    cb2 = r2(cg_b2, (1, 1))
    temp = r2(gate_temp, (1, 1))
    sb1 = r2(se_b1, (1, 4 * D))
    sb2 = r2(se_b2, (1, 2 * D))
    lng = r2(se_ln_g, (1, 2 * D))
    lnb = r2(se_ln_b, (1, 2 * D))
    bih = r2(qe_b_ih, (1, 16 * D))
    bhh = r2(qe_b_hh, (1, 16 * D))

    support_g = _support_call()(
        sup.reshape(SUP_N // 2, 2 * D),
        support_left_degrees.astype(i32).reshape(BS, 1),
        support_right_degrees.astype(i32).reshape(BS, 1),
        gw, wb, gb, cg_W1, cb1, cg_W2, cb2, temp,
        se_W1, sb1, se_W2, sb2, lng, lnb)

    scores = _query_call()(
        qc.reshape(BQ, 2 * D),
        cl.reshape(BQ * K, 2 * D), cr.reshape(BQ * K, 2 * D),
        query_left_degrees.astype(i32).reshape(BQ, 1),
        query_right_degrees.astype(i32).reshape(BQ, 1),
        support_g, gw, wb, gb, cg_W1, cb1, cg_W2, cb2, temp,
        se_W1, sb1, se_W2, sb2, lng, lnb,
        qe_W_ih, qe_W_hh, bih, bhh)
    return scores[:, 0]

# --- scband reference (transcript-rebuilt; emitter-appended) ---
"""Pipeline reference for scband-embed-matcher-82557861363990 (READ-ONLY COPY).

The authoritative reference and input builder live on the scoring server;
editing this copy changes nothing except your own understanding.
"""

import jax, jax.numpy as jnp
import numpy as np

EMBED_DIM = 64
NUM_SYMBOLS = 1000000
K_NEIGHBORS = 50
PROCESS_STEPS = 4
BQ = 4096
BS = 5


def setup_inputs(seed: int = 0):
    key = jax.random.key(seed)
    ks = jax.random.split(key, 30)
    d = EMBED_DIM
    dm = 2 * d
    hid = 2 * dm
    inp = {}
    inp["query"] = jax.random.randint(ks[0], (BQ, 2), 0, NUM_SYMBOLS)
    inp["support"] = jax.random.randint(ks[1], (BS, 2), 0, NUM_SYMBOLS)
    inp["query_left_connections"] = jax.random.randint(ks[2], (BQ, K_NEIGHBORS, 2), 0, NUM_SYMBOLS)
    inp["query_left_degrees"] = jax.random.randint(ks[3], (BQ,), 1, K_NEIGHBORS + 1)
    inp["query_right_connections"] = jax.random.randint(ks[4], (BQ, K_NEIGHBORS, 2), 0, NUM_SYMBOLS)
    inp["query_right_degrees"] = jax.random.randint(ks[5], (BQ,), 1, K_NEIGHBORS + 1)
    inp["support_left_connections"] = jax.random.randint(ks[6], (BS, K_NEIGHBORS, 2), 0, NUM_SYMBOLS)
    inp["support_left_degrees"] = jax.random.randint(ks[7], (BS,), 1, K_NEIGHBORS + 1)
    inp["support_right_connections"] = jax.random.randint(ks[8], (BS, K_NEIGHBORS, 2), 0, NUM_SYMBOLS)
    inp["support_right_degrees"] = jax.random.randint(ks[9], (BS,), 1, K_NEIGHBORS + 1)
    inp["symbol_emb"] = (jax.random.normal(ks[10], (NUM_SYMBOLS + 1, d), jnp.float32) * 0.02).at[NUM_SYMBOLS].set(0.0)
    inp["gcn_w_W"] = jax.random.normal(ks[11], (d, 2 * d), jnp.float32) * 0.08
    inp["gcn_w_b"] = jnp.zeros((d,), jnp.float32)
    inp["gcn_b"] = jnp.zeros((d,), jnp.float32)
    inp["gate_temp"] = jnp.asarray(1.0, jnp.float32)
    inp["cg_W1"] = jax.random.normal(ks[12], (d // 2, d), jnp.float32) * 0.14
    inp["cg_b1"] = jnp.zeros((d // 2,), jnp.float32)
    inp["cg_W2"] = jax.random.normal(ks[13], (1, d // 2), jnp.float32) * 0.24
    inp["cg_b2"] = jnp.zeros((1,), jnp.float32)
    inp["se_W1"] = jax.random.normal(ks[14], (2 * dm, dm), jnp.float32) * 0.1
    inp["se_b1"] = jnp.zeros((2 * dm,), jnp.float32)
    inp["se_W2"] = jax.random.normal(ks[15], (dm, 2 * dm), jnp.float32) * 0.1
    inp["se_b2"] = jnp.zeros((dm,), jnp.float32)
    inp["se_ln_g"] = jnp.ones((dm,), jnp.float32)
    inp["se_ln_b"] = jnp.zeros((dm,), jnp.float32)
    inp["qe_W_ih"] = jax.random.normal(ks[16], (4 * hid, dm), jnp.float32) * 0.08
    inp["qe_W_hh"] = jax.random.normal(ks[17], (4 * hid, hid), jnp.float32) * 0.06
    inp["qe_b_ih"] = jnp.zeros((4 * hid,), jnp.float32)
    inp["qe_b_hh"] = jnp.zeros((4 * hid,), jnp.float32)
    return inp


def reference(query, support, query_left_connections, query_left_degrees, query_right_connections, query_right_degrees, support_left_connections, support_left_degrees, support_right_connections, support_right_degrees, symbol_emb, gcn_w_W, gcn_w_b, gcn_b, gate_temp, cg_W1, cg_b1, cg_W2, cg_b2, se_W1, se_b1, se_W2, se_b2, se_ln_g, se_ln_b, qe_W_ih, qe_W_hh, qe_b_ih, qe_b_hh):
    d = symbol_emb.shape[1]

    def neighbor_encoder(center_ids, connections, degrees):
        center = jnp.take(symbol_emb, center_ids, axis=0)
        rel = jnp.take(symbol_emb, connections[:, :, 0], axis=0)
        ent = jnp.take(symbol_emb, connections[:, :, 1], axis=0)
        feats = jnp.concatenate([rel, ent], axis=-1)
        out = feats @ gcn_w_W.T + gcn_w_b
        logits = jnp.einsum('bkd,bd->bk', out, center) / jnp.sqrt(jnp.float32(d))
        deg = jnp.maximum(degrees, 1)
        mask = jnp.arange(connections.shape[1])[None, :] < deg[:, None]
        logits = jnp.where(mask, logits, -1e9)
        att = jax.nn.softmax(logits, axis=1)
        agg = jnp.einsum('bk,bkd->bd', att, out)
        gh = jax.nn.relu(agg @ cg_W1.T + cg_b1)
        gate = jax.nn.sigmoid((gh @ cg_W2.T + cg_b2) / gate_temp)
        return gate * jnp.tanh(agg + gcn_b) + (1.0 - gate) * jnp.tanh(center)

    def support_encoder(x):
        h = jax.nn.relu(x @ se_W1.T + se_b1)
        h = h @ se_W2.T + se_b2
        y = x + h
        mu = jnp.mean(y, axis=-1, keepdims=True)
        var = jnp.var(y, axis=-1, keepdims=True)
        return se_ln_g * (y - mu) / jnp.sqrt(var + 1e-6) + se_ln_b

    def lstm_cell(x, h, c):
        gates = x @ qe_W_ih.T + h @ qe_W_hh.T + qe_b_ih + qe_b_hh
        i, f, g, o = jnp.split(gates, 4, axis=-1)
        c2 = jax.nn.sigmoid(f) * c + jax.nn.sigmoid(i) * jnp.tanh(g)
        h2 = jax.nn.sigmoid(o) * jnp.tanh(c2)
        return h2, c2

    def query_encoder(support_g, query_g):
        dm_ = query_g.shape[1]
        hid = 2 * dm_
        h_r = jnp.zeros((query_g.shape[0], hid), query_g.dtype)
        c = jnp.zeros((query_g.shape[0], hid), query_g.dtype)
        h = query_g
        for _ in range(PROCESS_STEPS):
            h_r_, c = lstm_cell(query_g, h_r, c)
            h = query_g + h_r_[:, :dm_]
            attn = jax.nn.softmax(h @ support_g.T, axis=1)
            r = attn @ support_g
            h_r = jnp.concatenate([h, r], axis=1)
        return h

    ql = neighbor_encoder(query[:, 0], query_left_connections, query_left_degrees)
    qr = neighbor_encoder(query[:, 1], query_right_connections, query_right_degrees)
    sl = neighbor_encoder(support[:, 0], support_left_connections, support_left_degrees)
    sr = neighbor_encoder(support[:, 1], support_right_connections, support_right_degrees)
    query_g = support_encoder(jnp.concatenate([ql, qr], axis=-1))
    support_g = support_encoder(jnp.concatenate([sl, sr], axis=-1))
    support_g = jnp.mean(support_g, axis=0, keepdims=True)
    query_f = query_encoder(support_g, query_g)
    scores = (query_f @ support_g.T)[:, 0]
    return scores

if __name__ == "__main__":
    import jax
    _d = setup_inputs()
    print(jax.jit(kernel)(*tuple(_d.values())))

</pallas_src>

<mosaic_0001>
#map = affine_map<(d0, d1) -> (0, 0)>
#map1 = affine_map<(d0, d1) -> (0)>
module attributes {stable_mosaic.version = 14 : i64} {
  func.func @_sc_gather_body(%arg0: i32, %arg1: i32, %arg2: memref<1000001x64xf32, #tpu.memory_space<hbm>>, %arg3: memref<8192xi32, #tpu.memory_space<hbm>>, %arg4: memref<409600xi32, #tpu.memory_space<hbm>>, %arg5: memref<409600xi32, #tpu.memory_space<hbm>>, %arg6: memref<1280xi32, #tpu.memory_space<hbm>>, %arg7: memref<8192x64xf32, #tpu.memory_space<hbm>>, %arg8: memref<409600x64xf32, #tpu.memory_space<hbm>>, %arg9: memref<409600x64xf32, #tpu.memory_space<hbm>>, %arg10: memref<1280x64xf32, #tpu.memory_space<hbm>>, %arg11: memref<12800xi32, #tpu.memory_space<vmem>>, %arg12: memref<128x64xf32, #tpu.memory_space<vmem>>, %arg13: memref<40xi32, #tpu.memory_space<vmem>>, %arg14: memref<40x64xf32, #tpu.memory_space<vmem>>, %arg15: memref<!tpu.dma_semaphore, #tpu.memory_space<semaphore_mem>>) attributes {dimension_semantics = [#tpu.dimension_semantics<core_parallel>, #tpu.dimension_semantics<subcore_parallel>], iteration_bounds = array<i64: 2, 16>, scalar_prefetch = 0 : i64, scratch_operands = 5 : i64, tpu.core_type = #tpu.core_type<sc_vector_subcore>, window_params = [{transform_indices = #map}, {transform_indices = #map1}, {transform_indices = #map1}, {transform_indices = #map1}, {transform_indices = #map1}, {transform_indices = #map}, {transform_indices = #map}, {transform_indices = #map}, {transform_indices = #map}]} {
    %mul3A = arith.constant 2 : i32
    %mul3A_0 = arith.muli %arg1, %mul3A : i32
    %add3A = arith.addi %mul3A_0, %arg0 : i32
    %mul3A_1 = arith.constant 256 : i32
    %mul3A_2 = arith.muli %add3A, %mul3A_1 : i32
    "tpu.region"() ({
      %run_scoped3A = tpu.sem_alloc : memref<!tpu.dma_semaphore, #tpu.memory_space<semaphore_mem>>
      %dma_start3A_56 = arith.constant 0 : i32
      %dma_start3A_57 = tpu.memref_slice %arg11[%dma_start3A_56] : memref<12800xi32, #tpu.memory_space<vmem>> -> memref<256xi32, #tpu.memory_space<vmem>>
      %dma_start3A_58 = tpu.memref_slice %arg3[%mul3A_2] : memref<8192xi32, #tpu.memory_space<hbm>> -> memref<256xi32, #tpu.memory_space<hbm>>
      %dma_start3A_59 = arith.constant 0 : i32
      %dma_start3A_60 = tpu.memref_slice %arg11[%dma_start3A_59] : memref<12800xi32, #tpu.memory_space<vmem>> -> memref<256xi32, #tpu.memory_space<vmem>>
      %dma_start3A_61 = tpu.memref_slice %arg3[%mul3A_2] : memref<8192xi32, #tpu.memory_space<hbm>> -> memref<256xi32, #tpu.memory_space<hbm>>
      tpu.enqueue_dma source(%dma_start3A_61 : memref<256xi32, #tpu.memory_space<hbm>>) target(%dma_start3A_60 : memref<256xi32, #tpu.memory_space<vmem>>) target_semaphore(%run_scoped3A : memref<!tpu.dma_semaphore, #tpu.memory_space<semaphore_mem>>)
      %dma_wait3A_62 = arith.constant 0 : i32
      %dma_wait3A_63 = tpu.memref_slice %arg11[%dma_wait3A_62] : memref<12800xi32, #tpu.memory_space<vmem>> -> memref<256xi32, #tpu.memory_space<vmem>>
      %dma_wait3A_64 = tpu.memref_slice %arg3[%mul3A_2] : memref<8192xi32, #tpu.memory_space<hbm>> -> memref<256xi32, #tpu.memory_space<hbm>>
      %dma_wait3A_65 = arith.constant 0 : i32
      %dma_wait3A_66 = tpu.memref_slice %arg11[%dma_wait3A_65] : memref<12800xi32, #tpu.memory_space<vmem>> -> memref<256xi32, #tpu.memory_space<vmem>>
      %dma_wait3A_67 = tpu.memref_slice %arg3[%mul3A_2] : memref<8192xi32, #tpu.memory_space<hbm>> -> memref<256xi32, #tpu.memory_space<hbm>>
      tpu.wait_dma2 semaphore(%run_scoped3A : memref<!tpu.dma_semaphore, #tpu.memory_space<semaphore_mem>>) src(%dma_wait3A_67 : memref<256xi32, #tpu.memory_space<hbm>>) dst(%dma_wait3A_66 : memref<256xi32, #tpu.memory_space<vmem>>)
      tpu.yield
    }) : () -> ()
    %dma_start3A = arith.constant 0 : i32
    %dma_start3A_3 = tpu.memref_slice %arg11[%dma_start3A] : memref<12800xi32, #tpu.memory_space<vmem>> -> memref<128xi32, #tpu.memory_space<vmem>>
    %dma_start3A_4 = arith.constant 0 : i32
    %dma_start3A_5 = arith.constant 0 : i32
    %dma_start3A_6 = tpu.memref_slice %arg2[%dma_start3A_4, %dma_start3A_5] : memref<1000001x64xf32, #tpu.memory_space<hbm>> -> memref<1000001x64xf32, #tpu.memory_space<hbm>>
    tpu.enqueue_indirect_dma source(%dma_start3A_6 : memref<1000001x64xf32, #tpu.memory_space<hbm>>) target(%arg12 : memref<128x64xf32, #tpu.memory_space<vmem>>) offsets(%dma_start3A_3 : memref<128xi32, #tpu.memory_space<vmem>>) semaphore(%arg15 : memref<!tpu.dma_semaphore, #tpu.memory_space<semaphore_mem>>)
    %dma_wait3A = arith.constant 0 : i32
    %dma_wait3A_7 = tpu.memref_slice %arg11[%dma_wait3A] : memref<12800xi32, #tpu.memory_space<vmem>> -> memref<128xi32, #tpu.memory_space<vmem>>
    %dma_wait3A_8 = arith.constant 0 : i32
    %dma_wait3A_9 = arith.constant 0 : i32
    %dma_wait3A_10 = tpu.memref_slice %arg2[%dma_wait3A_8, %dma_wait3A_9] : memref<1000001x64xf32, #tpu.memory_space<hbm>> -> memref<1000001x64xf32, #tpu.memory_space<hbm>>
    tpu.wait_indirect_dma semaphore(%arg15 : memref<!tpu.dma_semaphore, #tpu.memory_space<semaphore_mem>>) src(%dma_wait3A_10 : memref<1000001x64xf32, #tpu.memory_space<hbm>>) dst(%arg12 : memref<128x64xf32, #tpu.memory_space<vmem>>)
    %mul3A_11 = arith.constant 256 : i32
    %mul3A_12 = arith.muli %add3A, %mul3A_11 : i32
    %add3A_13 = arith.constant 0 : i32
    %add3A_14 = arith.addi %mul3A_12, %add3A_13 : i32
    "tpu.region"() ({
      %run_scoped3A = tpu.sem_alloc : memref<!tpu.dma_semaphore, #tpu.memory_space<semaphore_mem>>
      %dma_start3A_56 = arith.constant 0 : i32
      %dma_start3A_57 = tpu.memref_slice %arg7[%add3A_14, %dma_start3A_56] : memref<8192x64xf32, #tpu.memory_space<hbm>> -> memref<128x64xf32, #tpu.memory_space<hbm>>
      %dma_start3A_58 = arith.constant 0 : i32
      %dma_start3A_59 = tpu.memref_slice %arg7[%add3A_14, %dma_start3A_58] : memref<8192x64xf32, #tpu.memory_space<hbm>> -> memref<128x64xf32, #tpu.memory_space<hbm>>
      tpu.enqueue_dma source(%arg12 : memref<128x64xf32, #tpu.memory_space<vmem>>) target(%dma_start3A_59 : memref<128x64xf32, #tpu.memory_space<hbm>>) target_semaphore(%run_scoped3A : memref<!tpu.dma_semaphore, #tpu.memory_space<semaphore_mem>>)
      %dma_wait3A_60 = arith.constant 0 : i32
      %dma_wait3A_61 = tpu.memref_slice %arg7[%add3A_14, %dma_wait3A_60] : memref<8192x64xf32, #tpu.memory_space<hbm>> -> memref<128x64xf32, #tpu.memory_space<hbm>>
      %dma_wait3A_62 = arith.constant 0 : i32
      %dma_wait3A_63 = tpu.memref_slice %arg7[%add3A_14, %dma_wait3A_62] : memref<8192x64xf32, #tpu.memory_space<hbm>> -> memref<128x64xf32, #tpu.memory_space<hbm>>
      tpu.wait_dma2 semaphore(%run_scoped3A : memref<!tpu.dma_semaphore, #tpu.memory_space<semaphore_mem>>) src(%arg12 : memref<128x64xf32, #tpu.memory_space<vmem>>) dst(%dma_wait3A_63 : memref<128x64xf32, #tpu.memory_space<hbm>>)
      tpu.yield
    }) : () -> ()
    %dma_start3A_15 = arith.constant 128 : i32
    %dma_start3A_16 = tpu.memref_slice %arg11[%dma_start3A_15] : memref<12800xi32, #tpu.memory_space<vmem>> -> memref<128xi32, #tpu.memory_space<vmem>>
    %dma_start3A_17 = arith.constant 0 : i32
    %dma_start3A_18 = arith.constant 0 : i32
    %dma_start3A_19 = tpu.memref_slice %arg2[%dma_start3A_17, %dma_start3A_18] : memref<1000001x64xf32, #tpu.memory_space<hbm>> -> memref<1000001x64xf32, #tpu.memory_space<hbm>>
    tpu.enqueue_indirect_dma source(%dma_start3A_19 : memref<1000001x64xf32, #tpu.memory_space<hbm>>) target(%arg12 : memref<128x64xf32, #tpu.memory_space<vmem>>) offsets(%dma_start3A_16 : memref<128xi32, #tpu.memory_space<vmem>>) semaphore(%arg15 : memref<!tpu.dma_semaphore, #tpu.memory_space<semaphore_mem>>)
    %dma_wait3A_20 = arith.constant 128 : i32
    %dma_wait3A_21 = tpu.memref_slice %arg11[%dma_wait3A_20] : memref<12800xi32, #tpu.memory_space<vmem>> -> memref<128xi32, #tpu.memory_space<vmem>>
    %dma_wait3A_22 = arith.constant 0 : i32
    %dma_wait3A_23 = arith.constant 0 : i32
    %dma_wait3A_24 = tpu.memref_slice %arg2[%dma_wait3A_22, %dma_wait3A_23] : memref<1000001x64xf32, #tpu.memory_space<hbm>> -> memref<1000001x64xf32, #tpu.memory_space<hbm>>
    tpu.wait_indirect_dma semaphore(%arg15 : memref<!tpu.dma_semaphore, #tpu.memory_space<semaphore_mem>>) src(%dma_wait3A_24 : memref<1000001x64xf32, #tpu.memory_space<hbm>>) dst(%arg12 : memref<128x64xf32, #tpu.memory_space<vmem>>)
    %mul3A_25 = arith.constant 256 : i32
    %mul3A_26 = arith.muli %add3A, %mul3A_25 : i32
    %add3A_27 = arith.constant 128 : i32
    %add3A_28 = arith.addi %mul3A_26, %add3A_27 : i32
    "tpu.region"() ({
      %run_scoped3A = tpu.sem_alloc : memref<!tpu.dma_semaphore, #tpu.memory_space<semaphore_mem>>
      %dma_start3A_56 = arith.constant 0 : i32
      %dma_start3A_57 = tpu.memref_slice %arg7[%add3A_28, %dma_start3A_56] : memref<8192x64xf32, #tpu.memory_space<hbm>> -> memref<128x64xf32, #tpu.memory_space<hbm>>
      %dma_start3A_58 = arith.constant 0 : i32
      %dma_start3A_59 = tpu.memref_slice %arg7[%add3A_28, %dma_start3A_58] : memref<8192x64xf32, #tpu.memory_space<hbm>> -> memref<128x64xf32, #tpu.memory_space<hbm>>
      tpu.enqueue_dma source(%arg12 : memref<128x64xf32, #tpu.memory_space<vmem>>) target(%dma_start3A_59 : memref<128x64xf32, #tpu.memory_space<hbm>>) target_semaphore(%run_scoped3A : memref<!tpu.dma_semaphore, #tpu.memory_space<semaphore_mem>>)
      %dma_wait3A_60 = arith.constant 0 : i32
      %dma_wait3A_61 = tpu.memref_slice %arg7[%add3A_28, %dma_wait3A_60] : memref<8192x64xf32, #tpu.memory_space<hbm>> -> memref<128x64xf32, #tpu.memory_space<hbm>>
      %dma_wait3A_62 = arith.constant 0 : i32
      %dma_wait3A_63 = tpu.memref_slice %arg7[%add3A_28, %dma_wait3A_62] : memref<8192x64xf32, #tpu.memory_space<hbm>> -> memref<128x64xf32, #tpu.memory_space<hbm>>
      tpu.wait_dma2 semaphore(%run_scoped3A : memref<!tpu.dma_semaphore, #tpu.memory_space<semaphore_mem>>) src(%arg12 : memref<128x64xf32, #tpu.memory_space<vmem>>) dst(%dma_wait3A_63 : memref<128x64xf32, #tpu.memory_space<hbm>>)
      tpu.yield
    }) : () -> ()
    %mul3A_29 = arith.constant 12800 : i32
    %mul3A_30 = arith.muli %add3A, %mul3A_29 : i32
    "tpu.region"() ({
      %run_scoped3A = tpu.sem_alloc : memref<!tpu.dma_semaphore, #tpu.memory_space<semaphore_mem>>
      %dma_start3A_56 = tpu.memref_slice %arg4[%mul3A_30] : memref<409600xi32, #tpu.memory_space<hbm>> -> memref<12800xi32, #tpu.memory_space<hbm>>
      %dma_start3A_57 = tpu.memref_slice %arg4[%mul3A_30] : memref<409600xi32, #tpu.memory_space<hbm>> -> memref<12800xi32, #tpu.memory_space<hbm>>
      tpu.enqueue_dma source(%dma_start3A_57 : memref<12800xi32, #tpu.memory_space<hbm>>) target(%arg11 : memref<12800xi32, #tpu.memory_space<vmem>>) target_semaphore(%run_scoped3A : memref<!tpu.dma_semaphore, #tpu.memory_space<semaphore_mem>>)
      %dma_wait3A_58 = tpu.memref_slice %arg4[%mul3A_30] : memref<409600xi32, #tpu.memory_space<hbm>> -> memref<12800xi32, #tpu.memory_space<hbm>>
      %dma_wait3A_59 = tpu.memref_slice %arg4[%mul3A_30] : memref<409600xi32, #tpu.memory_space<hbm>> -> memref<12800xi32, #tpu.memory_space<hbm>>
      tpu.wait_dma2 semaphore(%run_scoped3A : memref<!tpu.dma_semaphore, #tpu.memory_space<semaphore_mem>>) src(%dma_wait3A_59 : memref<12800xi32, #tpu.memory_space<hbm>>) dst(%arg11 : memref<12800xi32, #tpu.memory_space<vmem>>)
      tpu.yield
    }) : () -> ()
    %scan3A = arith.constant 0 : i32
    %scan3A_31 = arith.constant 0 : i32
    %scan3A_32 = arith.constant 100 : i32
    %scan3A_33 = arith.addi %scan3A_31, %scan3A_32 : i32
    %scan3A_34 = arith.constant 1 : i32
    %scan3A_35 = scf.for %scan3A_56 = %scan3A_31 to %scan3A_33 step %scan3A_34 iter_args(%scan3A_57 = %scan3A) -> (i32)  : i32 {
      %mul3A_58 = arith.constant 128 : i32
      %mul3A_59 = arith.muli %scan3A_56, %mul3A_58 : i32
      %dma_start3A_60 = tpu.memref_slice %arg11[%mul3A_59] : memref<12800xi32, #tpu.memory_space<vmem>> -> memref<128xi32, #tpu.memory_space<vmem>>
      %dma_start3A_61 = arith.constant 0 : i32
      %dma_start3A_62 = arith.constant 0 : i32
      %dma_start3A_63 = tpu.memref_slice %arg2[%dma_start3A_61, %dma_start3A_62] : memref<1000001x64xf32, #tpu.memory_space<hbm>> -> memref<1000001x64xf32, #tpu.memory_space<hbm>>
      tpu.enqueue_indirect_dma source(%dma_start3A_63 : memref<1000001x64xf32, #tpu.memory_space<hbm>>) target(%arg12 : memref<128x64xf32, #tpu.memory_space<vmem>>) offsets(%dma_start3A_60 : memref<128xi32, #tpu.memory_space<vmem>>) semaphore(%arg15 : memref<!tpu.dma_semaphore, #tpu.memory_space<semaphore_mem>>)
      %dma_wait3A_64 = tpu.memref_slice %arg11[%mul3A_59] : memref<12800xi32, #tpu.memory_space<vmem>> -> memref<128xi32, #tpu.memory_space<vmem>>
      %dma_wait3A_65 = arith.constant 0 : i32
      %dma_wait3A_66 = arith.constant 0 : i32
      %dma_wait3A_67 = tpu.memref_slice %arg2[%dma_wait3A_65, %dma_wait3A_66] : memref<1000001x64xf32, #tpu.memory_space<hbm>> -> memref<1000001x64xf32, #tpu.memory_space<hbm>>
      tpu.wait_indirect_dma semaphore(%arg15 : memref<!tpu.dma_semaphore, #tpu.memory_space<semaphore_mem>>) src(%dma_wait3A_67 : memref<1000001x64xf32, #tpu.memory_space<hbm>>) dst(%arg12 : memref<128x64xf32, #tpu.memory_space<vmem>>)
      %mul3A_68 = arith.constant 12800 : i32
      %mul3A_69 = arith.muli %add3A, %mul3A_68 : i32
      %mul3A_70 = arith.constant 128 : i32
      %mul3A_71 = arith.muli %scan3A_56, %mul3A_70 : i32
      %add3A_72 = arith.addi %mul3A_69, %mul3A_71 : i32
      "tpu.region"() ({
        %run_scoped3A = tpu.sem_alloc : memref<!tpu.dma_semaphore, #tpu.memory_space<semaphore_mem>>
        %dma_start3A_74 = arith.constant 0 : i32
        %dma_start3A_75 = tpu.memref_slice %arg8[%add3A_72, %dma_start3A_74] : memref<409600x64xf32, #tpu.memory_space<hbm>> -> memref<128x64xf32, #tpu.memory_space<hbm>>
        %dma_start3A_76 = arith.constant 0 : i32
        %dma_start3A_77 = tpu.memref_slice %arg8[%add3A_72, %dma_start3A_76] : memref<409600x64xf32, #tpu.memory_space<hbm>> -> memref<128x64xf32, #tpu.memory_space<hbm>>
        tpu.enqueue_dma source(%arg12 : memref<128x64xf32, #tpu.memory_space<vmem>>) target(%dma_start3A_77 : memref<128x64xf32, #tpu.memory_space<hbm>>) target_semaphore(%run_scoped3A : memref<!tpu.dma_semaphore, #tpu.memory_space<semaphore_mem>>)
        %dma_wait3A_78 = arith.constant 0 : i32
        %dma_wait3A_79 = tpu.memref_slice %arg8[%add3A_72, %dma_wait3A_78] : memref<409600x64xf32, #tpu.memory_space<hbm>> -> memref<128x64xf32, #tpu.memory_space<hbm>>
        %dma_wait3A_80 = arith.constant 0 : i32
        %dma_wait3A_81 = tpu.memref_slice %arg8[%add3A_72, %dma_wait3A_80] : memref<409600x64xf32, #tpu.memory_space<hbm>> -> memref<128x64xf32, #tpu.memory_space<hbm>>
        tpu.wait_dma2 semaphore(%run_scoped3A : memref<!tpu.dma_semaphore, #tpu.memory_space<semaphore_mem>>) src(%arg12 : memref<128x64xf32, #tpu.memory_space<vmem>>) dst(%dma_wait3A_81 : memref<128x64xf32, #tpu.memory_space<hbm>>)
        tpu.yield
      }) : () -> ()
      %scan3A_73 = arith.constant 0 : i32
      scf.yield %scan3A_73 : i32
    }
    %scan3A_36 = arith.constant 100 : i32
    %mul3A_37 = arith.constant 12800 : i32
    %mul3A_38 = arith.muli %add3A, %mul3A_37 : i32
    "tpu.region"() ({
      %run_scoped3A = tpu.sem_alloc : memref<!tpu.dma_semaphore, #tpu.memory_space<semaphore_mem>>
      %dma_start3A_56 = tpu.memref_slice %arg5[%mul3A_38] : memref<409600xi32, #tpu.memory_space<hbm>> -> memref<12800xi32, #tpu.memory_space<hbm>>
      %dma_start3A_57 = tpu.memref_slice %arg5[%mul3A_38] : memref<409600xi32, #tpu.memory_space<hbm>> -> memref<12800xi32, #tpu.memory_space<hbm>>
      tpu.enqueue_dma source(%dma_start3A_57 : memref<12800xi32, #tpu.memory_space<hbm>>) target(%arg11 : memref<12800xi32, #tpu.memory_space<vmem>>) target_semaphore(%run_scoped3A : memref<!tpu.dma_semaphore, #tpu.memory_space<semaphore_mem>>)
      %dma_wait3A_58 = tpu.memref_slice %arg5[%mul3A_38] : memref<409600xi32, #tpu.memory_space<hbm>> -> memref<12800xi32, #tpu.memory_space<hbm>>
      %dma_wait3A_59 = tpu.memref_slice %arg5[%mul3A_38] : memref<409600xi32, #tpu.memory_space<hbm>> -> memref<12800xi32, #tpu.memory_space<hbm>>
      tpu.wait_dma2 semaphore(%run_scoped3A : memref<!tpu.dma_semaphore, #tpu.memory_space<semaphore_mem>>) src(%dma_wait3A_59 : memref<12800xi32, #tpu.memory_space<hbm>>) dst(%arg11 : memref<12800xi32, #tpu.memory_space<vmem>>)
      tpu.yield
    }) : () -> ()
    %scan3A_39 = arith.constant 0 : i32
    %scan3A_40 = arith.constant 0 : i32
    %scan3A_41 = arith.constant 100 : i32
    %scan3A_42 = arith.addi %scan3A_40, %scan3A_41 : i32
    %scan3A_43 = arith.constant 1 : i32
    %scan3A_44 = scf.for %scan3A_56 = %scan3A_40 to %scan3A_42 step %scan3A_43 iter_args(%scan3A_57 = %scan3A_39) -> (i32)  : i32 {
      %mul3A_58 = arith.constant 128 : i32
      %mul3A_59 = arith.muli %scan3A_56, %mul3A_58 : i32
      %dma_start3A_60 = tpu.memref_slice %arg11[%mul3A_59] : memref<12800xi32, #tpu.memory_space<vmem>> -> memref<128xi32, #tpu.memory_space<vmem>>
      %dma_start3A_61 = arith.constant 0 : i32
      %dma_start3A_62 = arith.constant 0 : i32
      %dma_start3A_63 = tpu.memref_slice %arg2[%dma_start3A_61, %dma_start3A_62] : memref<1000001x64xf32, #tpu.memory_space<hbm>> -> memref<1000001x64xf32, #tpu.memory_space<hbm>>
      tpu.enqueue_indirect_dma source(%dma_start3A_63 : memref<1000001x64xf32, #tpu.memory_space<hbm>>) target(%arg12 : memref<128x64xf32, #tpu.memory_space<vmem>>) offsets(%dma_start3A_60 : memref<128xi32, #tpu.memory_space<vmem>>) semaphore(%arg15 : memref<!tpu.dma_semaphore, #tpu.memory_space<semaphore_mem>>)
      %dma_wait3A_64 = tpu.memref_slice %arg11[%mul3A_59] : memref<12800xi32, #tpu.memory_space<vmem>> -> memref<128xi32, #tpu.memory_space<vmem>>
      %dma_wait3A_65 = arith.constant 0 : i32
      %dma_wait3A_66 = arith.constant 0 : i32
      %dma_wait3A_67 = tpu.memref_slice %arg2[%dma_wait3A_65, %dma_wait3A_66] : memref<1000001x64xf32, #tpu.memory_space<hbm>> -> memref<1000001x64xf32, #tpu.memory_space<hbm>>
      tpu.wait_indirect_dma semaphore(%arg15 : memref<!tpu.dma_semaphore, #tpu.memory_space<semaphore_mem>>) src(%dma_wait3A_67 : memref<1000001x64xf32, #tpu.memory_space<hbm>>) dst(%arg12 : memref<128x64xf32, #tpu.memory_space<vmem>>)
      %mul3A_68 = arith.constant 12800 : i32
      %mul3A_69 = arith.muli %add3A, %mul3A_68 : i32
      %mul3A_70 = arith.constant 128 : i32
      %mul3A_71 = arith.muli %scan3A_56, %mul3A_70 : i32
      %add3A_72 = arith.addi %mul3A_69, %mul3A_71 : i32
      "tpu.region"() ({
        %run_scoped3A = tpu.sem_alloc : memref<!tpu.dma_semaphore, #tpu.memory_space<semaphore_mem>>
        %dma_start3A_74 = arith.constant 0 : i32
        %dma_start3A_75 = tpu.memref_slice %arg9[%add3A_72, %dma_start3A_74] : memref<409600x64xf32, #tpu.memory_space<hbm>> -> memref<128x64xf32, #tpu.memory_space<hbm>>
        %dma_start3A_76 = arith.constant 0 : i32
        %dma_start3A_77 = tpu.memref_slice %arg9[%add3A_72, %dma_start3A_76] : memref<409600x64xf32, #tpu.memory_space<hbm>> -> memref<128x64xf32, #tpu.memory_space<hbm>>
        tpu.enqueue_dma source(%arg12 : memref<128x64xf32, #tpu.memory_space<vmem>>) target(%dma_start3A_77 : memref<128x64xf32, #tpu.memory_space<hbm>>) target_semaphore(%run_scoped3A : memref<!tpu.dma_semaphore, #tpu.memory_space<semaphore_mem>>)
        %dma_wait3A_78 = arith.constant 0 : i32
        %dma_wait3A_79 = tpu.memref_slice %arg9[%add3A_72, %dma_wait3A_78] : memref<409600x64xf32, #tpu.memory_space<hbm>> -> memref<128x64xf32, #tpu.memory_space<hbm>>
        %dma_wait3A_80 = arith.constant 0 : i32
        %dma_wait3A_81 = tpu.memref_slice %arg9[%add3A_72, %dma_wait3A_80] : memref<409600x64xf32, #tpu.memory_space<hbm>> -> memref<128x64xf32, #tpu.memory_space<hbm>>
        tpu.wait_dma2 semaphore(%run_scoped3A : memref<!tpu.dma_semaphore, #tpu.memory_space<semaphore_mem>>) src(%arg12 : memref<128x64xf32, #tpu.memory_space<vmem>>) dst(%dma_wait3A_81 : memref<128x64xf32, #tpu.memory_space<hbm>>)
        tpu.yield
      }) : () -> ()
      %scan3A_73 = arith.constant 0 : i32
      scf.yield %scan3A_73 : i32
    }
    %scan3A_45 = arith.constant 100 : i32
    %mul3A_46 = arith.constant 40 : i32
    %mul3A_47 = arith.muli %add3A, %mul3A_46 : i32
    "tpu.region"() ({
      %run_scoped3A = tpu.sem_alloc : memref<!tpu.dma_semaphore, #tpu.memory_space<semaphore_mem>>
      %dma_start3A_56 = tpu.memref_slice %arg6[%mul3A_47] : memref<1280xi32, #tpu.memory_space<hbm>> -> memref<40xi32, #tpu.memory_space<hbm>>
      %dma_start3A_57 = tpu.memref_slice %arg6[%mul3A_47] : memref<1280xi32, #tpu.memory_space<hbm>> -> memref<40xi32, #tpu.memory_space<hbm>>
      tpu.enqueue_dma source(%dma_start3A_57 : memref<40xi32, #tpu.memory_space<hbm>>) target(%arg13 : memref<40xi32, #tpu.memory_space<vmem>>) target_semaphore(%run_scoped3A : memref<!tpu.dma_semaphore, #tpu.memory_space<semaphore_mem>>)
      %dma_wait3A_58 = tpu.memref_slice %arg6[%mul3A_47] : memref<1280xi32, #tpu.memory_space<hbm>> -> memref<40xi32, #tpu.memory_space<hbm>>
      %dma_wait3A_59 = tpu.memref_slice %arg6[%mul3A_47] : memref<1280xi32, #tpu.memory_space<hbm>> -> memref<40xi32, #tpu.memory_space<hbm>>
      tpu.wait_dma2 semaphore(%run_scoped3A : memref<!tpu.dma_semaphore, #tpu.memory_space<semaphore_mem>>) src(%dma_wait3A_59 : memref<40xi32, #tpu.memory_space<hbm>>) dst(%arg13 : memref<40xi32, #tpu.memory_space<vmem>>)
      tpu.yield
    }) : () -> ()
    %dma_start3A_48 = arith.constant 0 : i32
    %dma_start3A_49 = arith.constant 0 : i32
    %dma_start3A_50 = tpu.memref_slice %arg2[%dma_start3A_48, %dma_start3A_49] : memref<1000001x64xf32, #tpu.memory_space<hbm>> -> memref<1000001x64xf32, #tpu.memory_space<hbm>>
    tpu.enqueue_indirect_dma source(%dma_start3A_50 : memref<1000001x64xf32, #tpu.memory_space<hbm>>) target(%arg14 : memref<40x64xf32, #tpu.memory_space<vmem>>) offsets(%arg13 : memref<40xi32, #tpu.memory_space<vmem>>) semaphore(%arg15 : memref<!tpu.dma_semaphore, #tpu.memory_space<semaphore_mem>>)
    %dma_wait3A_51 = arith.constant 0 : i32
    %dma_wait3A_52 = arith.constant 0 : i32
    %dma_wait3A_53 = tpu.memref_slice %arg2[%dma_wait3A_51, %dma_wait3A_52] : memref<1000001x64xf32, #tpu.memory_space<hbm>> -> memref<1000001x64xf32, #tpu.memory_space<hbm>>
    tpu.wait_indirect_dma semaphore(%arg15 : memref<!tpu.dma_semaphore, #tpu.memory_space<semaphore_mem>>) src(%dma_wait3A_53 : memref<1000001x64xf32, #tpu.memory_space<hbm>>) dst(%arg14 : memref<40x64xf32, #tpu.memory_space<vmem>>)
    %mul3A_54 = arith.constant 40 : i32
    %mul3A_55 = arith.muli %add3A, %mul3A_54 : i32
    "tpu.region"() ({
      %run_scoped3A = tpu.sem_alloc : memref<!tpu.dma_semaphore, #tpu.memory_space<semaphore_mem>>
      %dma_start3A_56 = arith.constant 0 : i32
      %dma_start3A_57 = tpu.memref_slice %arg10[%mul3A_55, %dma_start3A_56] : memref<1280x64xf32, #tpu.memory_space<hbm>> -> memref<40x64xf32, #tpu.memory_space<hbm>>
      %dma_start3A_58 = arith.constant 0 : i32
      %dma_start3A_59 = tpu.memref_slice %arg10[%mul3A_55, %dma_start3A_58] : memref<1280x64xf32, #tpu.memory_space<hbm>> -> memref<40x64xf32, #tpu.memory_space<hbm>>
      tpu.enqueue_dma source(%arg14 : memref<40x64xf32, #tpu.memory_space<vmem>>) target(%dma_start3A_59 : memref<40x64xf32, #tpu.memory_space<hbm>>) target_semaphore(%run_scoped3A : memref<!tpu.dma_semaphore, #tpu.memory_space<semaphore_mem>>)
      %dma_wait3A_60 = arith.constant 0 : i32
      %dma_wait3A_61 = tpu.memref_slice %arg10[%mul3A_55, %dma_wait3A_60] : memref<1280x64xf32, #tpu.memory_space<hbm>> -> memref<40x64xf32, #tpu.memory_space<hbm>>
      %dma_wait3A_62 = arith.constant 0 : i32
      %dma_wait3A_63 = tpu.memref_slice %arg10[%mul3A_55, %dma_wait3A_62] : memref<1280x64xf32, #tpu.memory_space<hbm>> -> memref<40x64xf32, #tpu.memory_space<hbm>>
      tpu.wait_dma2 semaphore(%run_scoped3A : memref<!tpu.dma_semaphore, #tpu.memory_space<semaphore_mem>>) src(%arg14 : memref<40x64xf32, #tpu.memory_space<vmem>>) dst(%dma_wait3A_63 : memref<40x64xf32, #tpu.memory_space<hbm>>)
      tpu.yield
    }) : () -> ()
    return
  }
}

module attributes {stable_mosaic.version = 14 : i64} {
  func.func @_support_body(%arg0: memref<640x128xf32, #tpu.memory_space<vmem>>, %arg1: memref<5x1xi32, #tpu.memory_space<vmem>>, %arg2: memref<5x1xi32, #tpu.memory_space<vmem>>, %arg3: memref<64x128xf32, #tpu.memory_space<vmem>>, %arg4: memref<1x64xf32, #tpu.memory_space<vmem>>, %arg5: memref<1x64xf32, #tpu.memory_space<vmem>>, %arg6: memref<32x64xf32, #tpu.memory_space<vmem>>, %arg7: memref<1x32xf32, #tpu.memory_space<vmem>>, %arg8: memref<1x32xf32, #tpu.memory_space<vmem>>, %arg9: memref<1x1xf32, #tpu.memory_space<smem>>, %arg10: memref<1x1xf32, #tpu.memory_space<smem>>, %arg11: memref<256x128xf32, #tpu.memory_space<vmem>>, %arg12: memref<1x256xf32, #tpu.memory_space<vmem>>, %arg13: memref<128x256xf32, #tpu.memory_space<vmem>>, %arg14: memref<1x128xf32, #tpu.memory_space<vmem>>, %arg15: memref<1x128xf32, #tpu.memory_space<vmem>>, %arg16: memref<1x128xf32, #tpu.memory_space<vmem>>, %arg17: memref<1x128xf32, #tpu.memory_space<vmem>>) attributes {dimension_semantics = [], scalar_prefetch = 0 : i64, scratch_operands = 0 : i64, tpu.core_type = #tpu.core_type<tc>} {
    %get3A = arith.constant 0 : index
    %get3A_0 = arith.constant 0 : index
    %get3A_1 = vector.load %arg0[%get3A, %get3A_0] : memref<640x128xf32, #tpu.memory_space<vmem>>, vector<640x128xf32>
    %get3A_2 = arith.constant 0 : index
    %get3A_3 = arith.constant 0 : index
    %get3A_4 = vector.load %arg3[%get3A_2, %get3A_3] : memref<64x128xf32, #tpu.memory_space<vmem>>, vector<64x128xf32>
    %get3A_5 = arith.constant 0 : index
    %get3A_6 = arith.constant 0 : index
    %get3A_7 = vector.load %arg4[%get3A_5, %get3A_6] : memref<1x64xf32, #tpu.memory_space<vmem>>, vector<1x64xf32>
    %get3A_8 = arith.constant 0 : index
    %get3A_9 = arith.constant 0 : index
    %get3A_10 = vector.load %arg5[%get3A_8, %get3A_9] : memref<1x64xf32, #tpu.memory_space<vmem>>, vector<1x64xf32>
    %get3A_11 = arith.constant 0 : index
    %get3A_12 = arith.constant 0 : index
    %get3A_13 = vector.load %arg6[%get3A_11, %get3A_12] : memref<32x64xf32, #tpu.memory_space<vmem>>, vector<32x64xf32>
    %get3A_14 = arith.constant 0 : index
    %get3A_15 = arith.constant 0 : index
    %get3A_16 = vector.load %arg7[%get3A_14, %get3A_15] : memref<1x32xf32, #tpu.memory_space<vmem>>, vector<1x32xf32>
    %get3A_17 = arith.constant 0 : index
    %get3A_18 = arith.constant 0 : index
    %get3A_19 = vector.load %arg8[%get3A_17, %get3A_18] : memref<1x32xf32, #tpu.memory_space<vmem>>, vector<1x32xf32>
    %get3A_20 = arith.constant 0 : index
    %get3A_21 = arith.constant 0 : index
    %get3A_22 = memref.load %arg9[%get3A_20, %get3A_21] : memref<1x1xf32, #tpu.memory_space<smem>>
    %get3A_23 = arith.constant 0 : index
    %get3A_24 = arith.constant 0 : index
    %get3A_25 = memref.load %arg10[%get3A_23, %get3A_24] : memref<1x1xf32, #tpu.memory_space<smem>>
    %slice3A = vector.extract_strided_slice %get3A_1 {offsets = [0, 0], sizes = [5, 128], strides = [1, 1]} : vector<640x128xf32> to vector<5x128xf32>
    %slice3A_26 = vector.extract_strided_slice %get3A_1 {offsets = [8, 0], sizes = [250, 128], strides = [1, 1]} : vector<640x128xf32> to vector<250x128xf32>
    %slice3A_27 = vector.extract_strided_slice %get3A_1 {offsets = [264, 0], sizes = [250, 128], strides = [1, 1]} : vector<640x128xf32> to vector<250x128xf32>
    %slice3A_28 = vector.extract_strided_slice %slice3A {offsets = [0, 0], sizes = [5, 64], strides = [1, 1]} : vector<5x128xf32> to vector<5x64xf32>
    %get3A_29 = arith.constant 0 : index
    %get3A_30 = arith.constant 0 : index
    %get3A_31 = vector.load %arg1[%get3A_29, %get3A_30] : memref<5x1xi32, #tpu.memory_space<vmem>>, vector<5x1xi32>
    %dot_general3A = arith.constant dense<0.000000e+00> : vector<250x64xf32>
    %dot_general3A_32 = tpu.matmul %slice3A_26, %get3A_4, %dot_general3A {dimension_numbers = #tpu.dot_dimension_numbers<[1], [1], [0], [0], [0, 0, 1, 0], [], []>, precision = #tpu.contract_precision<fp32>, transpose_lhs_hint = false} : vector<250x128xf32>, vector<64x128xf32>, vector<250x64xf32> -> vector<250x64xf32>
    %add3A = vector.broadcast %get3A_7 : vector<1x64xf32> to vector<250x64xf32>
    %add3A_33 = arith.addf %dot_general3A_32, %add3A : vector<250x64xf32>
    %reshape3A = vector.shape_cast %add3A_33 : vector<250x64xf32> to vector<5x50x64xf32>
    %broadcast_in_dim3A = vector.shape_cast %slice3A_28 : vector<5x64xf32> to vector<5x1x64xf32>
    %mul3A = vector.broadcast %broadcast_in_dim3A : vector<5x1x64xf32> to vector<5x50x64xf32>
    %mul3A_34 = arith.mulf %reshape3A, %mul3A : vector<5x50x64xf32>
    %reduce_sum3A = arith.constant dense<0.000000e+00> : vector<5x50xf32>
    %reduce_sum3A_35 = vector.multi_reduction <add>, %mul3A_34, %reduce_sum3A [2] : vector<5x50x64xf32> to vector<5x50xf32>
    %mul3A_36 = arith.constant 1.250000e-01 : f32
    %mul3A_37 = vector.broadcast %mul3A_36 : f32 to vector<5x50xf32>
    %mul3A_38 = arith.mulf %reduce_sum3A_35, %mul3A_37 : vector<5x50xf32>
    %max3A = arith.constant 1 : i32
    %max3A_39 = vector.broadcast %max3A : i32 to vector<5x1xi32>
    %max3A_40 = arith.maxsi %get3A_31, %max3A_39 : vector<5x1xi32>
    %iota3A = tpu.iota {dimensions = array<i32: 1>} : vector<5x50xi32>
    %lt3A = vector.broadcast %max3A_40 : vector<5x1xi32> to vector<5x50xi32>
    %lt3A_41 = arith.cmpi slt, %iota3A, %lt3A : vector<5x50xi32>
    %jit3A = arith.constant -1.000000e+09 : f32
    %broadcast_in_dim3A_42 = vector.broadcast %jit3A : f32 to vector<5x50xf32>
    %select_n3A = arith.select %lt3A_41, %mul3A_38, %broadcast_in_dim3A_42 : vector<5x50xi1>, vector<5x50xf32>
    %reduce_max3A = arith.constant dense<0xFF800000> : vector<5xf32>
    %reduce_max3A_43 = vector.multi_reduction <maximumf>, %select_n3A, %reduce_max3A [1] : vector<5x50xf32> to vector<5xf32>
    %broadcast_in_dim3A_44 = vector.shape_cast %reduce_max3A_43 : vector<5xf32> to vector<5x1xf32>
    %sub3A = vector.broadcast %broadcast_in_dim3A_44 : vector<5x1xf32> to vector<5x50xf32>
    %sub3A_45 = arith.subf %select_n3A, %sub3A : vector<5x50xf32>
    %exp3A = math.exp %sub3A_45 : vector<5x50xf32>
    %reduce_sum3A_46 = arith.constant dense<0.000000e+00> : vector<5xf32>
    %reduce_sum3A_47 = vector.multi_reduction <add>, %exp3A, %reduce_sum3A_46 [1] : vector<5x50xf32> to vector<5xf32>
    %broadcast_in_dim3A_48 = vector.shape_cast %reduce_sum3A_47 : vector<5xf32> to vector<5x1xf32>
    %div3A = vector.broadcast %broadcast_in_dim3A_48 : vector<5x1xf32> to vector<5x50xf32>
    %div3A_49 = arith.divf %exp3A, %div3A : vector<5x50xf32>
    %broadcast_in_dim3A_50 = vector.shape_cast %div3A_49 : vector<5x50xf32> to vector<5x50x1xf32>
    %mul3A_51 = vector.broadcast %broadcast_in_dim3A_50 : vector<5x50x1xf32> to vector<5x50x64xf32>
    %mul3A_52 = arith.mulf %mul3A_51, %reshape3A : vector<5x50x64xf32>
    %reduce_sum3A_53 = arith.constant dense<0.000000e+00> : vector<5x64xf32>
    %reduce_sum3A_54 = vector.multi_reduction <add>, %mul3A_52, %reduce_sum3A_53 [1] : vector<5x50x64xf32> to vector<5x64xf32>
    %dot_general3A_55 = arith.constant dense<0.000000e+00> : vector<5x32xf32>
    %dot_general3A_56 = tpu.matmul %reduce_sum3A_54, %get3A_13, %dot_general3A_55 {dimension_numbers = #tpu.dot_dimension_numbers<[1], [1], [0], [0], [0, 0, 1, 0], [], []>, precision = #tpu.contract_precision<fp32>, transpose_lhs_hint = false} : vector<5x64xf32>, vector<32x64xf32>, vector<5x32xf32> -> vector<5x32xf32>
    %add3A_57 = vector.broadcast %get3A_16 : vector<1x32xf32> to vector<5x32xf32>
    %add3A_58 = arith.addf %dot_general3A_56, %add3A_57 : vector<5x32xf32>
    %max3A_59 = arith.constant 0.000000e+00 : f32
    %max3A_60 = vector.broadcast %max3A_59 : f32 to vector<5x32xf32>
    %max3A_61 = arith.maximumf %add3A_58, %max3A_60 : vector<5x32xf32>
    %mul3A_62 = vector.broadcast %get3A_19 : vector<1x32xf32> to vector<5x32xf32>
    %mul3A_63 = arith.mulf %max3A_61, %mul3A_62 : vector<5x32xf32>
    %reduce_sum3A_64 = arith.constant dense<0.000000e+00> : vector<5xf32>
    %reduce_sum3A_65 = vector.multi_reduction <add>, %mul3A_63, %reduce_sum3A_64 [1] : vector<5x32xf32> to vector<5xf32>
    %broadcast_in_dim3A_66 = vector.shape_cast %reduce_sum3A_65 : vector<5xf32> to vector<5x1xf32>
    %add3A_67 = vector.broadcast %get3A_22 : f32 to vector<5x1xf32>
    %add3A_68 = arith.addf %broadcast_in_dim3A_66, %add3A_67 : vector<5x1xf32>
    %div3A_69 = vector.broadcast %get3A_25 : f32 to vector<5x1xf32>
    %div3A_70 = arith.divf %add3A_68, %div3A_69 : vector<5x1xf32>
    %logistic3A = arith.negf %div3A_70 : vector<5x1xf32>
    %logistic3A_71 = math.exp %logistic3A : vector<5x1xf32>
    %logistic3A_72 = arith.constant 1.000000e+00 : f32
    %logistic3A_73 = vector.broadcast %logistic3A_72 : f32 to vector<5x1xf32>
    %logistic3A_74 = arith.addf %logistic3A_73, %logistic3A_71 : vector<5x1xf32>
    %logistic3A_75 = arith.divf %logistic3A_73, %logistic3A_74 : vector<5x1xf32>
    %add3A_76 = vector.broadcast %get3A_10 : vector<1x64xf32> to vector<5x64xf32>
    %add3A_77 = arith.addf %reduce_sum3A_54, %add3A_76 : vector<5x64xf32>
    %tanh3A = math.tanh %add3A_77 : vector<5x64xf32>
    %mul3A_78 = vector.broadcast %logistic3A_75 : vector<5x1xf32> to vector<5x64xf32>
    %mul3A_79 = arith.mulf %mul3A_78, %tanh3A : vector<5x64xf32>
    %sub3A_80 = arith.constant 1.000000e+00 : f32
    %sub3A_81 = vector.broadcast %sub3A_80 : f32 to vector<5x1xf32>
    %sub3A_82 = arith.subf %sub3A_81, %logistic3A_75 : vector<5x1xf32>
    %tanh3A_83 = math.tanh %slice3A_28 : vector<5x64xf32>
    %mul3A_84 = vector.broadcast %sub3A_82 : vector<5x1xf32> to vector<5x64xf32>
    %mul3A_85 = arith.mulf %mul3A_84, %tanh3A_83 : vector<5x64xf32>
    %add3A_86 = arith.addf %mul3A_79, %mul3A_85 : vector<5x64xf32>
    %slice3A_87 = vector.extract_strided_slice %slice3A {offsets = [0, 64], sizes = [5, 64], strides = [1, 1]} : vector<5x128xf32> to vector<5x64xf32>
    %get3A_88 = arith.constant 0 : index
    %get3A_89 = arith.constant 0 : index
    %get3A_90 = vector.load %arg2[%get3A_88, %get3A_89] : memref<5x1xi32, #tpu.memory_space<vmem>>, vector<5x1xi32>
    %dot_general3A_91 = arith.constant dense<0.000000e+00> : vector<250x64xf32>
    %dot_general3A_92 = tpu.matmul %slice3A_27, %get3A_4, %dot_general3A_91 {dimension_numbers = #tpu.dot_dimension_numbers<[1], [1], [0], [0], [0, 0, 1, 0], [], []>, precision = #tpu.contract_precision<fp32>, transpose_lhs_hint = false} : vector<250x128xf32>, vector<64x128xf32>, vector<250x64xf32> -> vector<250x64xf32>
    %add3A_93 = vector.broadcast %get3A_7 : vector<1x64xf32> to vector<250x64xf32>
    %add3A_94 = arith.addf %dot_general3A_92, %add3A_93 : vector<250x64xf32>
    %reshape3A_95 = vector.shape_cast %add3A_94 : vector<250x64xf32> to vector<5x50x64xf32>
    %broadcast_in_dim3A_96 = vector.shape_cast %slice3A_87 : vector<5x64xf32> to vector<5x1x64xf32>
    %mul3A_97 = vector.broadcast %broadcast_in_dim3A_96 : vector<5x1x64xf32> to vector<5x50x64xf32>
    %mul3A_98 = arith.mulf %reshape3A_95, %mul3A_97 : vector<5x50x64xf32>
    %reduce_sum3A_99 = arith.constant dense<0.000000e+00> : vector<5x50xf32>
    %reduce_sum3A_100 = vector.multi_reduction <add>, %mul3A_98, %reduce_sum3A_99 [2] : vector<5x50x64xf32> to vector<5x50xf32>
    %mul3A_101 = arith.constant 1.250000e-01 : f32
    %mul3A_102 = vector.broadcast %mul3A_101 : f32 to vector<5x50xf32>
    %mul3A_103 = arith.mulf %reduce_sum3A_100, %mul3A_102 : vector<5x50xf32>
    %max3A_104 = arith.constant 1 : i32
    %max3A_105 = vector.broadcast %max3A_104 : i32 to vector<5x1xi32>
    %max3A_106 = arith.maxsi %get3A_90, %max3A_105 : vector<5x1xi32>
    %iota3A_107 = tpu.iota {dimensions = array<i32: 1>} : vector<5x50xi32>
    %lt3A_108 = vector.broadcast %max3A_106 : vector<5x1xi32> to vector<5x50xi32>
    %lt3A_109 = arith.cmpi slt, %iota3A_107, %lt3A_108 : vector<5x50xi32>
    %jit3A_110 = arith.constant -1.000000e+09 : f32
    %broadcast_in_dim3A_111 = vector.broadcast %jit3A_110 : f32 to vector<5x50xf32>
    %select_n3A_112 = arith.select %lt3A_109, %mul3A_103, %broadcast_in_dim3A_111 : vector<5x50xi1>, vector<5x50xf32>
    %reduce_max3A_113 = arith.constant dense<0xFF800000> : vector<5xf32>
    %reduce_max3A_114 = vector.multi_reduction <maximumf>, %select_n3A_112, %reduce_max3A_113 [1] : vector<5x50xf32> to vector<5xf32>
    %broadcast_in_dim3A_115 = vector.shape_cast %reduce_max3A_114 : vector<5xf32> to vector<5x1xf32>
    %sub3A_116 = vector.broadcast %broadcast_in_dim3A_115 : vector<5x1xf32> to vector<5x50xf32>
    %sub3A_117 = arith.subf %select_n3A_112, %sub3A_116 : vector<5x50xf32>
    %exp3A_118 = math.exp %sub3A_117 : vector<5x50xf32>
    %reduce_sum3A_119 = arith.constant dense<0.000000e+00> : vector<5xf32>
    %reduce_sum3A_120 = vector.multi_reduction <add>, %exp3A_118, %reduce_sum3A_119 [1] : vector<5x50xf32> to vector<5xf32>
    %broadcast_in_dim3A_121 = vector.shape_cast %reduce_sum3A_120 : vector<5xf32> to vector<5x1xf32>
    %div3A_122 = vector.broadcast %broadcast_in_dim3A_121 : vector<5x1xf32> to vector<5x50xf32>
    %div3A_123 = arith.divf %exp3A_118, %div3A_122 : vector<5x50xf32>
    %broadcast_in_dim3A_124 = vector.shape_cast %div3A_123 : vector<5x50xf32> to vector<5x50x1xf32>
    %mul3A_125 = vector.broadcast %broadcast_in_dim3A_124 : vector<5x50x1xf32> to vector<5x50x64xf32>
    %mul3A_126 = arith.mulf %mul3A_125, %reshape3A_95 : vector<5x50x64xf32>
    %reduce_sum3A_127 = arith.constant dense<0.000000e+00> : vector<5x64xf32>
    %reduce_sum3A_128 = vector.multi_reduction <add>, %mul3A_126, %reduce_sum3A_127 [1] : vector<5x50x64xf32> to vector<5x64xf32>
    %dot_general3A_129 = arith.constant dense<0.000000e+00> : vector<5x32xf32>
    %dot_general3A_130 = tpu.matmul %reduce_sum3A_128, %get3A_13, %dot_general3A_129 {dimension_numbers = #tpu.dot_dimension_numbers<[1], [1], [0], [0], [0, 0, 1, 0], [], []>, precision = #tpu.contract_precision<fp32>, transpose_lhs_hint = false} : vector<5x64xf32>, vector<32x64xf32>, vector<5x32xf32> -> vector<5x32xf32>
    %add3A_131 = vector.broadcast %get3A_16 : vector<1x32xf32> to vector<5x32xf32>
    %add3A_132 = arith.addf %dot_general3A_130, %add3A_131 : vector<5x32xf32>
    %max3A_133 = arith.constant 0.000000e+00 : f32
    %max3A_134 = vector.broadcast %max3A_133 : f32 to vector<5x32xf32>
    %max3A_135 = arith.maximumf %add3A_132, %max3A_134 : vector<5x32xf32>
    %mul3A_136 = vector.broadcast %get3A_19 : vector<1x32xf32> to vector<5x32xf32>
    %mul3A_137 = arith.mulf %max3A_135, %mul3A_136 : vector<5x32xf32>
    %reduce_sum3A_138 = arith.constant dense<0.000000e+00> : vector<5xf32>
    %reduce_sum3A_139 = vector.multi_reduction <add>, %mul3A_137, %reduce_sum3A_138 [1] : vector<5x32xf32> to vector<5xf32>
    %broadcast_in_dim3A_140 = vector.shape_cast %reduce_sum3A_139 : vector<5xf32> to vector<5x1xf32>
    %add3A_141 = vector.broadcast %get3A_22 : f32 to vector<5x1xf32>
    %add3A_142 = arith.addf %broadcast_in_dim3A_140, %add3A_141 : vector<5x1xf32>
    %div3A_143 = vector.broadcast %get3A_25 : f32 to vector<5x1xf32>
    %div3A_144 = arith.divf %add3A_142, %div3A_143 : vector<5x1xf32>
    %logistic3A_145 = arith.negf %div3A_144 : vector<5x1xf32>
    %logistic3A_146 = math.exp %logistic3A_145 : vector<5x1xf32>
    %logistic3A_147 = arith.constant 1.000000e+00 : f32
    %logistic3A_148 = vector.broadcast %logistic3A_147 : f32 to vector<5x1xf32>
    %logistic3A_149 = arith.addf %logistic3A_148, %logistic3A_146 : vector<5x1xf32>
    %logistic3A_150 = arith.divf %logistic3A_148, %logistic3A_149 : vector<5x1xf32>
    %add3A_151 = vector.broadcast %get3A_10 : vector<1x64xf32> to vector<5x64xf32>
    %add3A_152 = arith.addf %reduce_sum3A_128, %add3A_151 : vector<5x64xf32>
    %tanh3A_153 = math.tanh %add3A_152 : vector<5x64xf32>
    %mul3A_154 = vector.broadcast %logistic3A_150 : vector<5x1xf32> to vector<5x64xf32>
    %mul3A_155 = arith.mulf %mul3A_154, %tanh3A_153 : vector<5x64xf32>
    %sub3A_156 = arith.constant 1.000000e+00 : f32
    %sub3A_157 = vector.broadcast %sub3A_156 : f32 to vector<5x1xf32>
    %sub3A_158 = arith.subf %sub3A_157, %logistic3A_150 : vector<5x1xf32>
    %tanh3A_159 = math.tanh %slice3A_87 : vector<5x64xf32>
    %mul3A_160 = vector.broadcast %sub3A_158 : vector<5x1xf32> to vector<5x64xf32>
    %mul3A_161 = arith.mulf %mul3A_160, %tanh3A_159 : vector<5x64xf32>
    %add3A_162 = arith.addf %mul3A_155, %mul3A_161 : vector<5x64xf32>
    %concatenate3A = tpu.concatenate %add3A_86, %add3A_162 in 1 : vector<5x64xf32>, vector<5x64xf32> -> vector<5x128xf32>
    %get3A_163 = arith.constant 0 : index
    %get3A_164 = arith.constant 0 : index
    %get3A_165 = vector.load %arg11[%get3A_163, %get3A_164] : memref<256x128xf32, #tpu.memory_space<vmem>>, vector<256x128xf32>
    %get3A_166 = arith.constant 0 : index
    %get3A_167 = arith.constant 0 : index
    %get3A_168 = vector.load %arg12[%get3A_166, %get3A_167] : memref<1x256xf32, #tpu.memory_space<vmem>>, vector<1x256xf32>
    %get3A_169 = arith.constant 0 : index
    %get3A_170 = arith.constant 0 : index
    %get3A_171 = vector.load %arg13[%get3A_169, %get3A_170] : memref<128x256xf32, #tpu.memory_space<vmem>>, vector<128x256xf32>
    %get3A_172 = arith.constant 0 : index
    %get3A_173 = arith.constant 0 : index
    %get3A_174 = vector.load %arg14[%get3A_172, %get3A_173] : memref<1x128xf32, #tpu.memory_space<vmem>>, vector<1x128xf32>
    %get3A_175 = arith.constant 0 : index
    %get3A_176 = arith.constant 0 : index
    %get3A_177 = vector.load %arg15[%get3A_175, %get3A_176] : memref<1x128xf32, #tpu.memory_space<vmem>>, vector<1x128xf32>
    %get3A_178 = arith.constant 0 : index
    %get3A_179 = arith.constant 0 : index
    %get3A_180 = vector.load %arg16[%get3A_178, %get3A_179] : memref<1x128xf32, #tpu.memory_space<vmem>>, vector<1x128xf32>
    %dot_general3A_181 = arith.constant dense<0.000000e+00> : vector<5x256xf32>
    %dot_general3A_182 = tpu.matmul %concatenate3A, %get3A_165, %dot_general3A_181 {dimension_numbers = #tpu.dot_dimension_numbers<[1], [1], [0], [0], [0, 0, 1, 0], [], []>, precision = #tpu.contract_precision<fp32>, transpose_lhs_hint = false} : vector<5x128xf32>, vector<256x128xf32>, vector<5x256xf32> -> vector<5x256xf32>
    %add3A_183 = vector.broadcast %get3A_168 : vector<1x256xf32> to vector<5x256xf32>
    %add3A_184 = arith.addf %dot_general3A_182, %add3A_183 : vector<5x256xf32>
    %max3A_185 = arith.constant 0.000000e+00 : f32
    %max3A_186 = vector.broadcast %max3A_185 : f32 to vector<5x256xf32>
    %max3A_187 = arith.maximumf %add3A_184, %max3A_186 : vector<5x256xf32>
    %dot_general3A_188 = arith.constant dense<0.000000e+00> : vector<5x128xf32>
    %dot_general3A_189 = tpu.matmul %max3A_187, %get3A_171, %dot_general3A_188 {dimension_numbers = #tpu.dot_dimension_numbers<[1], [1], [0], [0], [0, 0, 1, 0], [], []>, precision = #tpu.contract_precision<fp32>, transpose_lhs_hint = false} : vector<5x256xf32>, vector<128x256xf32>, vector<5x128xf32> -> vector<5x128xf32>
    %add3A_190 = arith.addf %concatenate3A, %dot_general3A_189 : vector<5x128xf32>
    %add3A_191 = vector.broadcast %get3A_174 : vector<1x128xf32> to vector<5x128xf32>
    %add3A_192 = arith.addf %add3A_190, %add3A_191 : vector<5x128xf32>
    %reduce_sum3A_193 = arith.constant dense<0.000000e+00> : vector<5xf32>
    %reduce_sum3A_194 = vector.multi_reduction <add>, %add3A_192, %reduce_sum3A_193 [1] : vector<5x128xf32> to vector<5xf32>
    %broadcast_in_dim3A_195 = vector.shape_cast %reduce_sum3A_194 : vector<5xf32> to vector<5x1xf32>
    %div3A_196 = arith.constant 1.280000e+02 : f32
    %div3A_197 = vector.broadcast %div3A_196 : f32 to vector<5x1xf32>
    %div3A_198 = arith.divf %broadcast_in_dim3A_195, %div3A_197 : vector<5x1xf32>
    %sub3A_199 = vector.broadcast %div3A_198 : vector<5x1xf32> to vector<5x128xf32>
    %sub3A_200 = arith.subf %add3A_192, %sub3A_199 : vector<5x128xf32>
    %integer_pow3A = arith.mulf %sub3A_200, %sub3A_200 : vector<5x128xf32>
    %reduce_sum3A_201 = arith.constant dense<0.000000e+00> : vector<5xf32>
    %reduce_sum3A_202 = vector.multi_reduction <add>, %integer_pow3A, %reduce_sum3A_201 [1] : vector<5x128xf32> to vector<5xf32>
    %broadcast_in_dim3A_203 = vector.shape_cast %reduce_sum3A_202 : vector<5xf32> to vector<5x1xf32>
    %div3A_204 = arith.constant 1.280000e+02 : f32
    %div3A_205 = vector.broadcast %div3A_204 : f32 to vector<5x1xf32>
    %div3A_206 = arith.divf %broadcast_in_dim3A_203, %div3A_205 : vector<5x1xf32>
    %sub3A_207 = vector.broadcast %div3A_198 : vector<5x1xf32> to vector<5x128xf32>
    %sub3A_208 = arith.subf %add3A_192, %sub3A_207 : vector<5x128xf32>
    %mul3A_209 = vector.broadcast %get3A_177 : vector<1x128xf32> to vector<5x128xf32>
    %mul3A_210 = arith.mulf %mul3A_209, %sub3A_208 : vector<5x128xf32>
    %add3A_211 = arith.constant 9.99999997E-7 : f32
    %add3A_212 = vector.broadcast %add3A_211 : f32 to vector<5x1xf32>
    %add3A_213 = arith.addf %div3A_206, %add3A_212 : vector<5x1xf32>
    %rsqrt3A = math.rsqrt %add3A_213 : vector<5x1xf32>
    %mul3A_214 = vector.broadcast %rsqrt3A : vector<5x1xf32> to vector<5x128xf32>
    %mul3A_215 = arith.mulf %mul3A_210, %mul3A_214 : vector<5x128xf32>
    %add3A_216 = vector.broadcast %get3A_180 : vector<1x128xf32> to vector<5x128xf32>
    %add3A_217 = arith.addf %mul3A_215, %add3A_216 : vector<5x128xf32>
    %reduce_sum3A_218 = arith.constant dense<0.000000e+00> : vector<128xf32>
    %reduce_sum3A_219 = vector.multi_reduction <add>, %add3A_217, %reduce_sum3A_218 [0] : vector<5x128xf32> to vector<128xf32>
    %broadcast_in_dim3A_220 = vector.shape_cast %reduce_sum3A_219 : vector<128xf32> to vector<1x128xf32>
    %div3A_221 = arith.constant 5.000000e+00 : f32
    %div3A_222 = vector.broadcast %div3A_221 : f32 to vector<1x128xf32>
    %div3A_223 = arith.divf %broadcast_in_dim3A_220, %div3A_222 : vector<1x128xf32>
    %swap3A = arith.constant 0 : index
    %swap3A_224 = arith.constant 0 : index
    %swap3A_225 = vector.load %arg17[%swap3A, %swap3A_224] : memref<1x128xf32, #tpu.memory_space<vmem>>, vector<1x128xf32>
    tpu.vector_store %arg17[%swap3A, %swap3A_224], %div3A_223 {strides = array<i32>} : memref<1x128xf32, #tpu.memory_space<vmem>>, vector<1x128xf32>,
    return
  }
}

module attributes {stable_mosaic.version = 14 : i64} {
  func.func @_query_body(%arg0: i32, %arg1: memref<128x128xf32, #tpu.memory_space<vmem>>, %arg2: memref<6400x128xf32, #tpu.memory_space<vmem>>, %arg3: memref<6400x128xf32, #tpu.memory_space<vmem>>, %arg4: memref<128x1xi32, #tpu.memory_space<vmem>>, %arg5: memref<128x1xi32, #tpu.memory_space<vmem>>, %arg6: memref<1x128xf32, #tpu.memory_space<vmem>>, %arg7: memref<64x128xf32, #tpu.memory_space<vmem>>, %arg8: memref<1x64xf32, #tpu.memory_space<vmem>>, %arg9: memref<1x64xf32, #tpu.memory_space<vmem>>, %arg10: memref<32x64xf32, #tpu.memory_space<vmem>>, %arg11: memref<1x32xf32, #tpu.memory_space<vmem>>, %arg12: memref<1x32xf32, #tpu.memory_space<vmem>>, %arg13: memref<1x1xf32, #tpu.memory_space<smem>>, %arg14: memref<1x1xf32, #tpu.memory_space<smem>>, %arg15: memref<256x128xf32, #tpu.memory_space<vmem>>, %arg16: memref<1x256xf32, #tpu.memory_space<vmem>>, %arg17: memref<128x256xf32, #tpu.memory_space<vmem>>, %arg18: memref<1x128xf32, #tpu.memory_space<vmem>>, %arg19: memref<1x128xf32, #tpu.memory_space<vmem>>, %arg20: memref<1x128xf32, #tpu.memory_space<vmem>>, %arg21: memref<1024x128xf32, #tpu.memory_space<vmem>>, %arg22: memref<1024x256xf32, #tpu.memory_space<vmem>>, %arg23: memref<1x1024xf32, #tpu.memory_space<vmem>>, %arg24: memref<1x1024xf32, #tpu.memory_space<vmem>>, %arg25: memref<128x1xf32, #tpu.memory_space<vmem>>) attributes {dimension_semantics = [#tpu.dimension_semantics<arbitrary>], iteration_bounds = array<i64: 32>, scalar_prefetch = 0 : i64, scratch_operands = 0 : i64, tpu.core_type = #tpu.core_type<tc>, window_params = [{transform_indices = @transform_0, window_bounds = array<i64: 128, 128>}, {transform_indices = @transform_1, window_bounds = array<i64: 6400, 128>}, {transform_indices = @transform_2, window_bounds = array<i64: 6400, 128>}, {transform_indices = @transform_3, window_bounds = array<i64: 128, 1>}, {transform_indices = @transform_4, window_bounds = array<i64: 128, 1>}, {pipeline_mode = #tpu.pipeline_mode<synchronous>, transform_indices = @transform_5, window_bounds = array<i64: 1, 128>}, {pipeline_mode = #tpu.pipeline_mode<synchronous>, transform_indices = @transform_6, window_bounds = array<i64: 64, 128>}, {pipeline_mode = #tpu.pipeline_mode<synchronous>, transform_indices = @transform_7, window_bounds = array<i64: 1, 64>}, {pipeline_mode = #tpu.pipeline_mode<synchronous>, transform_indices = @transform_8, window_bounds = array<i64: 1, 64>}, {pipeline_mode = #tpu.pipeline_mode<synchronous>, transform_indices = @transform_9, window_bounds = array<i64: 32, 64>}, {pipeline_mode = #tpu.pipeline_mode<synchronous>, transform_indices = @transform_10, window_bounds = array<i64: 1, 32>}, {pipeline_mode = #tpu.pipeline_mode<synchronous>, transform_indices = @transform_11, window_bounds = array<i64: 1, 32>}, {transform_indices = @transform_12, window_bounds = array<i64: 1, 1>}, {transform_indices = @transform_13, window_bounds = array<i64: 1, 1>}, {pipeline_mode = #tpu.pipeline_mode<synchronous>, transform_indices = @transform_14, window_bounds = array<i64: 256, 128>}, {pipeline_mode = #tpu.pipeline_mode<synchronous>, transform_indices = @transform_15, window_bounds = array<i64: 1, 256>}, {pipeline_mode = #tpu.pipeline_mode<synchronous>, transform_indices = @transform_16, window_bounds = array<i64: 128, 256>}, {pipeline_mode = #tpu.pipeline_mode<synchronous>, transform_indices = @transform_17, window_bounds = array<i64: 1, 128>}, {pipeline_mode = #tpu.pipeline_mode<synchronous>, transform_indices = @transform_18, window_bounds = array<i64: 1, 128>}, {pipeline_mode = #tpu.pipeline_mode<synchronous>, transform_indices = @transform_19, window_bounds = array<i64: 1, 128>}, {pipeline_mode = #tpu.pipeline_mode<synchronous>, transform_indices = @transform_20, window_bounds = array<i64: 1024, 128>}, {pipeline_mode = #tpu.pipeline_mode<synchronous>, transform_indices = @transform_21, window_bounds = array<i64: 1024, 256>}, {pipeline_mode = #tpu.pipeline_mode<synchronous>, transform_indices = @transform_22, window_bounds = array<i64: 1, 1024>}, {pipeline_mode = #tpu.pipeline_mode<synchronous>, transform_indices = @transform_23, window_bounds = array<i64: 1, 1024>}, {transform_indices = @transform_24, window_bounds = array<i64: 128, 1>}]} {
    %get3A = arith.constant 0 : index
    %get3A_0 = arith.constant 0 : index
    %get3A_1 = vector.load %arg7[%get3A, %get3A_0] : memref<64x128xf32, #tpu.memory_space<vmem>>, vector<64x128xf32>
    %get3A_2 = arith.constant 0 : index
    %get3A_3 = arith.constant 0 : index
    %get3A_4 = vector.load %arg8[%get3A_2, %get3A_3] : memref<1x64xf32, #tpu.memory_space<vmem>>, vector<1x64xf32>
    %get3A_5 = arith.constant 0 : index
    %get3A_6 = arith.constant 0 : index
    %get3A_7 = vector.load %arg9[%get3A_5, %get3A_6] : memref<1x64xf32, #tpu.memory_space<vmem>>, vector<1x64xf32>
    %get3A_8 = arith.constant 0 : index
    %get3A_9 = arith.constant 0 : index
    %get3A_10 = vector.load %arg10[%get3A_8, %get3A_9] : memref<32x64xf32, #tpu.memory_space<vmem>>, vector<32x64xf32>
    %get3A_11 = arith.constant 0 : index
    %get3A_12 = arith.constant 0 : index
    %get3A_13 = vector.load %arg11[%get3A_11, %get3A_12] : memref<1x32xf32, #tpu.memory_space<vmem>>, vector<1x32xf32>
    %get3A_14 = arith.constant 0 : index
    %get3A_15 = arith.constant 0 : index
    %get3A_16 = vector.load %arg12[%get3A_14, %get3A_15] : memref<1x32xf32, #tpu.memory_space<vmem>>, vector<1x32xf32>
    %get3A_17 = arith.constant 0 : index
    %get3A_18 = arith.constant 0 : index
    %get3A_19 = memref.load %arg13[%get3A_17, %get3A_18] : memref<1x1xf32, #tpu.memory_space<smem>>
    %get3A_20 = arith.constant 0 : index
    %get3A_21 = arith.constant 0 : index
    %get3A_22 = memref.load %arg14[%get3A_20, %get3A_21] : memref<1x1xf32, #tpu.memory_space<smem>>
    %get3A_23 = arith.constant 0 : index
    %get3A_24 = arith.constant 0 : index
    %get3A_25 = vector.load %arg1[%get3A_23, %get3A_24] : memref<128x128xf32, #tpu.memory_space<vmem>>, vector<128x128xf32>
    %get3A_26 = arith.constant 0 : index
    %get3A_27 = arith.constant 0 : index
    %get3A_28 = vector.load %arg2[%get3A_26, %get3A_27] : memref<6400x128xf32, #tpu.memory_space<vmem>>, vector<6400x128xf32>
    %slice3A = vector.extract_strided_slice %get3A_25 {offsets = [0, 0], sizes = [128, 64], strides = [1, 1]} : vector<128x128xf32> to vector<128x64xf32>
    %get3A_29 = arith.constant 0 : index
    %get3A_30 = arith.constant 0 : index
    %get3A_31 = vector.load %arg4[%get3A_29, %get3A_30] : memref<128x1xi32, #tpu.memory_space<vmem>>, vector<128x1xi32>
    %dot_general3A = arith.constant dense<0.000000e+00> : vector<6400x64xf32>
    %dot_general3A_32 = tpu.matmul %get3A_28, %get3A_1, %dot_general3A {dimension_numbers = #tpu.dot_dimension_numbers<[1], [1], [0], [0], [0, 0, 1, 0], [], []>, precision = #tpu.contract_precision<fp32>, transpose_lhs_hint = false} : vector<6400x128xf32>, vector<64x128xf32>, vector<6400x64xf32> -> vector<6400x64xf32>
    %add3A = vector.broadcast %get3A_4 : vector<1x64xf32> to vector<6400x64xf32>
    %add3A_33 = arith.addf %dot_general3A_32, %add3A : vector<6400x64xf32>
    %reshape3A = vector.shape_cast %add3A_33 : vector<6400x64xf32> to vector<128x50x64xf32>
    %broadcast_in_dim3A = vector.shape_cast %slice3A : vector<128x64xf32> to vector<128x1x64xf32>
    %mul3A = vector.broadcast %broadcast_in_dim3A : vector<128x1x64xf32> to vector<128x50x64xf32>
    %mul3A_34 = arith.mulf %reshape3A, %mul3A : vector<128x50x64xf32>
    %reduce_sum3A = arith.constant dense<0.000000e+00> : vector<128x50xf32>
    %reduce_sum3A_35 = vector.multi_reduction <add>, %mul3A_34, %reduce_sum3A [2] : vector<128x50x64xf32> to vector<128x50xf32>
    %mul3A_36 = arith.constant 1.250000e-01 : f32
    %mul3A_37 = vector.broadcast %mul3A_36 : f32 to vector<128x50xf32>
    %mul3A_38 = arith.mulf %reduce_sum3A_35, %mul3A_37 : vector<128x50xf32>
    %max3A = arith.constant 1 : i32
    %max3A_39 = vector.broadcast %max3A : i32 to vector<128x1xi32>
    %max3A_40 = arith.maxsi %get3A_31, %max3A_39 : vector<128x1xi32>
    %iota3A = tpu.iota {dimensions = array<i32: 1>} : vector<128x50xi32>
    %lt3A = vector.broadcast %max3A_40 : vector<128x1xi32> to vector<128x50xi32>
    %lt3A_41 = arith.cmpi slt, %iota3A, %lt3A : vector<128x50xi32>
    %jit3A = arith.constant -1.000000e+09 : f32
    %broadcast_in_dim3A_42 = vector.broadcast %jit3A : f32 to vector<128x50xf32>
    %select_n3A = arith.select %lt3A_41, %mul3A_38, %broadcast_in_dim3A_42 : vector<128x50xi1>, vector<128x50xf32>
    %reduce_max3A = arith.constant dense<0xFF800000> : vector<128xf32>
    %reduce_max3A_43 = vector.multi_reduction <maximumf>, %select_n3A, %reduce_max3A [1] : vector<128x50xf32> to vector<128xf32>
    %broadcast_in_dim3A_44 = vector.shape_cast %reduce_max3A_43 : vector<128xf32> to vector<128x1xf32>
    %sub3A = vector.broadcast %broadcast_in_dim3A_44 : vector<128x1xf32> to vector<128x50xf32>
    %sub3A_45 = arith.subf %select_n3A, %sub3A : vector<128x50xf32>
    %exp3A = math.exp %sub3A_45 : vector<128x50xf32>
    %reduce_sum3A_46 = arith.constant dense<0.000000e+00> : vector<128xf32>
    %reduce_sum3A_47 = vector.multi_reduction <add>, %exp3A, %reduce_sum3A_46 [1] : vector<128x50xf32> to vector<128xf32>
    %broadcast_in_dim3A_48 = vector.shape_cast %reduce_sum3A_47 : vector<128xf32> to vector<128x1xf32>
    %div3A = vector.broadcast %broadcast_in_dim3A_48 : vector<128x1xf32> to vector<128x50xf32>
    %div3A_49 = arith.divf %exp3A, %div3A : vector<128x50xf32>
    %broadcast_in_dim3A_50 = vector.shape_cast %div3A_49 : vector<128x50xf32> to vector<128x50x1xf32>
    %mul3A_51 = vector.broadcast %broadcast_in_dim3A_50 : vector<128x50x1xf32> to vector<128x50x64xf32>
    %mul3A_52 = arith.mulf %mul3A_51, %reshape3A : vector<128x50x64xf32>
    %reduce_sum3A_53 = arith.constant dense<0.000000e+00> : vector<128x64xf32>
    %reduce_sum3A_54 = vector.multi_reduction <add>, %mul3A_52, %reduce_sum3A_53 [1] : vector<128x50x64xf32> to vector<128x64xf32>
    %dot_general3A_55 = arith.constant dense<0.000000e+00> : vector<128x32xf32>
    %dot_general3A_56 = tpu.matmul %reduce_sum3A_54, %get3A_10, %dot_general3A_55 {dimension_numbers = #tpu.dot_dimension_numbers<[1], [1], [0], [0], [0, 0, 1, 0], [], []>, precision = #tpu.contract_precision<fp32>, transpose_lhs_hint = false} : vector<128x64xf32>, vector<32x64xf32>, vector<128x32xf32> -> vector<128x32xf32>
    %add3A_57 = vector.broadcast %get3A_13 : vector<1x32xf32> to vector<128x32xf32>
    %add3A_58 = arith.addf %dot_general3A_56, %add3A_57 : vector<128x32xf32>
    %max3A_59 = arith.constant 0.000000e+00 : f32
    %max3A_60 = vector.broadcast %max3A_59 : f32 to vector<128x32xf32>
    %max3A_61 = arith.maximumf %add3A_58, %max3A_60 : vector<128x32xf32>
    %mul3A_62 = vector.broadcast %get3A_16 : vector<1x32xf32> to vector<128x32xf32>
    %mul3A_63 = arith.mulf %max3A_61, %mul3A_62 : vector<128x32xf32>
    %reduce_sum3A_64 = arith.constant dense<0.000000e+00> : vector<128xf32>
    %reduce_sum3A_65 = vector.multi_reduction <add>, %mul3A_63, %reduce_sum3A_64 [1] : vector<128x32xf32> to vector<128xf32>
    %broadcast_in_dim3A_66 = vector.shape_cast %reduce_sum3A_65 : vector<128xf32> to vector<128x1xf32>
    %add3A_67 = vector.broadcast %get3A_19 : f32 to vector<128x1xf32>
    %add3A_68 = arith.addf %broadcast_in_dim3A_66, %add3A_67 : vector<128x1xf32>
    %div3A_69 = vector.broadcast %get3A_22 : f32 to vector<128x1xf32>
    %div3A_70 = arith.divf %add3A_68, %div3A_69 : vector<128x1xf32>
    %logistic3A = arith.negf %div3A_70 : vector<128x1xf32>
    %logistic3A_71 = math.exp %logistic3A : vector<128x1xf32>
    %logistic3A_72 = arith.constant 1.000000e+00 : f32
    %logistic3A_73 = vector.broadcast %logistic3A_72 : f32 to vector<128x1xf32>
    %logistic3A_74 = arith.addf %logistic3A_73, %logistic3A_71 : vector<128x1xf32>
    %logistic3A_75 = arith.divf %logistic3A_73, %logistic3A_74 : vector<128x1xf32>
    %add3A_76 = vector.broadcast %get3A_7 : vector<1x64xf32> to vector<128x64xf32>
    %add3A_77 = arith.addf %reduce_sum3A_54, %add3A_76 : vector<128x64xf32>
    %tanh3A = math.tanh %add3A_77 : vector<128x64xf32>
    %mul3A_78 = vector.broadcast %logistic3A_75 : vector<128x1xf32> to vector<128x64xf32>
    %mul3A_79 = arith.mulf %mul3A_78, %tanh3A : vector<128x64xf32>
    %sub3A_80 = arith.constant 1.000000e+00 : f32
    %sub3A_81 = vector.broadcast %sub3A_80 : f32 to vector<128x1xf32>
    %sub3A_82 = arith.subf %sub3A_81, %logistic3A_75 : vector<128x1xf32>
    %tanh3A_83 = math.tanh %slice3A : vector<128x64xf32>
    %mul3A_84 = vector.broadcast %sub3A_82 : vector<128x1xf32> to vector<128x64xf32>
    %mul3A_85 = arith.mulf %mul3A_84, %tanh3A_83 : vector<128x64xf32>
    %add3A_86 = arith.addf %mul3A_79, %mul3A_85 : vector<128x64xf32>
    %get3A_87 = arith.constant 0 : index
    %get3A_88 = arith.constant 0 : index
    %get3A_89 = vector.load %arg3[%get3A_87, %get3A_88] : memref<6400x128xf32, #tpu.memory_space<vmem>>, vector<6400x128xf32>
    %slice3A_90 = vector.extract_strided_slice %get3A_25 {offsets = [0, 64], sizes = [128, 64], strides = [1, 1]} : vector<128x128xf32> to vector<128x64xf32>
    %get3A_91 = arith.constant 0 : index
    %get3A_92 = arith.constant 0 : index
    %get3A_93 = vector.load %arg5[%get3A_91, %get3A_92] : memref<128x1xi32, #tpu.memory_space<vmem>>, vector<128x1xi32>
    %dot_general3A_94 = arith.constant dense<0.000000e+00> : vector<6400x64xf32>
    %dot_general3A_95 = tpu.matmul %get3A_89, %get3A_1, %dot_general3A_94 {dimension_numbers = #tpu.dot_dimension_numbers<[1], [1], [0], [0], [0, 0, 1, 0], [], []>, precision = #tpu.contract_precision<fp32>, transpose_lhs_hint = false} : vector<6400x128xf32>, vector<64x128xf32>, vector<6400x64xf32> -> vector<6400x64xf32>
    %add3A_96 = vector.broadcast %get3A_4 : vector<1x64xf32> to vector<6400x64xf32>
    %add3A_97 = arith.addf %dot_general3A_95, %add3A_96 : vector<6400x64xf32>
    %reshape3A_98 = vector.shape_cast %add3A_97 : vector<6400x64xf32> to vector<128x50x64xf32>
    %broadcast_in_dim3A_99 = vector.shape_cast %slice3A_90 : vector<128x64xf32> to vector<128x1x64xf32>
    %mul3A_100 = vector.broadcast %broadcast_in_dim3A_99 : vector<128x1x64xf32> to vector<128x50x64xf32>
    %mul3A_101 = arith.mulf %reshape3A_98, %mul3A_100 : vector<128x50x64xf32>
    %reduce_sum3A_102 = arith.constant dense<0.000000e+00> : vector<128x50xf32>
    %reduce_sum3A_103 = vector.multi_reduction <add>, %mul3A_101, %reduce_sum3A_102 [2] : vector<128x50x64xf32> to vector<128x50xf32>
    %mul3A_104 = arith.constant 1.250000e-01 : f32
    %mul3A_105 = vector.broadcast %mul3A_104 : f32 to vector<128x50xf32>
    %mul3A_106 = arith.mulf %reduce_sum3A_103, %mul3A_105 : vector<128x50xf32>
    %max3A_107 = arith.constant 1 : i32
    %max3A_108 = vector.broadcast %max3A_107 : i32 to vector<128x1xi32>
    %max3A_109 = arith.maxsi %get3A_93, %max3A_108 : vector<128x1xi32>
    %iota3A_110 = tpu.iota {dimensions = array<i32: 1>} : vector<128x50xi32>
    %lt3A_111 = vector.broadcast %max3A_109 : vector<128x1xi32> to vector<128x50xi32>
    %lt3A_112 = arith.cmpi slt, %iota3A_110, %lt3A_111 : vector<128x50xi32>
    %jit3A_113 = arith.constant -1.000000e+09 : f32
    %broadcast_in_dim3A_114 = vector.broadcast %jit3A_113 : f32 to vector<128x50xf32>
    %select_n3A_115 = arith.select %lt3A_112, %mul3A_106, %broadcast_in_dim3A_114 : vector<128x50xi1>, vector<128x50xf32>
    %reduce_max3A_116 = arith.constant dense<0xFF800000> : vector<128xf32>
    %reduce_max3A_117 = vector.multi_reduction <maximumf>, %select_n3A_115, %reduce_max3A_116 [1] : vector<128x50xf32> to vector<128xf32>
    %broadcast_in_dim3A_118 = vector.shape_cast %reduce_max3A_117 : vector<128xf32> to vector<128x1xf32>
    %sub3A_119 = vector.broadcast %broadcast_in_dim3A_118 : vector<128x1xf32> to vector<128x50xf32>
    %sub3A_120 = arith.subf %select_n3A_115, %sub3A_119 : vector<128x50xf32>
    %exp3A_121 = math.exp %sub3A_120 : vector<128x50xf32>
    %reduce_sum3A_122 = arith.constant dense<0.000000e+00> : vector<128xf32>
    %reduce_sum3A_123 = vector.multi_reduction <add>, %exp3A_121, %reduce_sum3A_122 [1] : vector<128x50xf32> to vector<128xf32>
    %broadcast_in_dim3A_124 = vector.shape_cast %reduce_sum3A_123 : vector<128xf32> to vector<128x1xf32>
    %div3A_125 = vector.broadcast %broadcast_in_dim3A_124 : vector<128x1xf32> to vector<128x50xf32>
    %div3A_126 = arith.divf %exp3A_121, %div3A_125 : vector<128x50xf32>
    %broadcast_in_dim3A_127 = vector.shape_cast %div3A_126 : vector<128x50xf32> to vector<128x50x1xf32>
    %mul3A_128 = vector.broadcast %broadcast_in_dim3A_127 : vector<128x50x1xf32> to vector<128x50x64xf32>
    %mul3A_129 = arith.mulf %mul3A_128, %reshape3A_98 : vector<128x50x64xf32>
    %reduce_sum3A_130 = arith.constant dense<0.000000e+00> : vector<128x64xf32>
    %reduce_sum3A_131 = vector.multi_reduction <add>, %mul3A_129, %reduce_sum3A_130 [1] : vector<128x50x64xf32> to vector<128x64xf32>
    %dot_general3A_132 = arith.constant dense<0.000000e+00> : vector<128x32xf32>
    %dot_general3A_133 = tpu.matmul %reduce_sum3A_131, %get3A_10, %dot_general3A_132 {dimension_numbers = #tpu.dot_dimension_numbers<[1], [1], [0], [0], [0, 0, 1, 0], [], []>, precision = #tpu.contract_precision<fp32>, transpose_lhs_hint = false} : vector<128x64xf32>, vector<32x64xf32>, vector<128x32xf32> -> vector<128x32xf32>
    %add3A_134 = vector.broadcast %get3A_13 : vector<1x32xf32> to vector<128x32xf32>
    %add3A_135 = arith.addf %dot_general3A_133, %add3A_134 : vector<128x32xf32>
    %max3A_136 = arith.constant 0.000000e+00 : f32
    %max3A_137 = vector.broadcast %max3A_136 : f32 to vector<128x32xf32>
    %max3A_138 = arith.maximumf %add3A_135, %max3A_137 : vector<128x32xf32>
    %mul3A_139 = vector.broadcast %get3A_16 : vector<1x32xf32> to vector<128x32xf32>
    %mul3A_140 = arith.mulf %max3A_138, %mul3A_139 : vector<128x32xf32>
    %reduce_sum3A_141 = arith.constant dense<0.000000e+00> : vector<128xf32>
    %reduce_sum3A_142 = vector.multi_reduction <add>, %mul3A_140, %reduce_sum3A_141 [1] : vector<128x32xf32> to vector<128xf32>
    %broadcast_in_dim3A_143 = vector.shape_cast %reduce_sum3A_142 : vector<128xf32> to vector<128x1xf32>
    %add3A_144 = vector.broadcast %get3A_19 : f32 to vector<128x1xf32>
    %add3A_145 = arith.addf %broadcast_in_dim3A_143, %add3A_144 : vector<128x1xf32>
    %div3A_146 = vector.broadcast %get3A_22 : f32 to vector<128x1xf32>
    %div3A_147 = arith.divf %add3A_145, %div3A_146 : vector<128x1xf32>
    %logistic3A_148 = arith.negf %div3A_147 : vector<128x1xf32>
    %logistic3A_149 = math.exp %logistic3A_148 : vector<128x1xf32>
    %logistic3A_150 = arith.constant 1.000000e+00 : f32
    %logistic3A_151 = vector.broadcast %logistic3A_150 : f32 to vector<128x1xf32>
    %logistic3A_152 = arith.addf %logistic3A_151, %logistic3A_149 : vector<128x1xf32>
    %logistic3A_153 = arith.divf %logistic3A_151, %logistic3A_152 : vector<128x1xf32>
    %add3A_154 = vector.broadcast %get3A_7 : vector<1x64xf32> to vector<128x64xf32>
    %add3A_155 = arith.addf %reduce_sum3A_131, %add3A_154 : vector<128x64xf32>
    %tanh3A_156 = math.tanh %add3A_155 : vector<128x64xf32>
    %mul3A_157 = vector.broadcast %logistic3A_153 : vector<128x1xf32> to vector<128x64xf32>
    %mul3A_158 = arith.mulf %mul3A_157, %tanh3A_156 : vector<128x64xf32>
    %sub3A_159 = arith.constant 1.000000e+00 : f32
    %sub3A_160 = vector.broadcast %sub3A_159 : f32 to vector<128x1xf32>
    %sub3A_161 = arith.subf %sub3A_160, %logistic3A_153 : vector<128x1xf32>
    %tanh3A_162 = math.tanh %slice3A_90 : vector<128x64xf32>
    %mul3A_163 = vector.broadcast %sub3A_161 : vector<128x1xf32> to vector<128x64xf32>
    %mul3A_164 = arith.mulf %mul3A_163, %tanh3A_162 : vector<128x64xf32>
    %add3A_165 = arith.addf %mul3A_158, %mul3A_164 : vector<128x64xf32>
    %concatenate3A = tpu.concatenate %add3A_86, %add3A_165 in 1 : vector<128x64xf32>, vector<128x64xf32> -> vector<128x128xf32>
    %get3A_166 = arith.constant 0 : index
    %get3A_167 = arith.constant 0 : index
    %get3A_168 = vector.load %arg15[%get3A_166, %get3A_167] : memref<256x128xf32, #tpu.memory_space<vmem>>, vector<256x128xf32>
    %get3A_169 = arith.constant 0 : index
    %get3A_170 = arith.constant 0 : index
    %get3A_171 = vector.load %arg16[%get3A_169, %get3A_170] : memref<1x256xf32, #tpu.memory_space<vmem>>, vector<1x256xf32>
    %get3A_172 = arith.constant 0 : index
    %get3A_173 = arith.constant 0 : index
    %get3A_174 = vector.load %arg17[%get3A_172, %get3A_173] : memref<128x256xf32, #tpu.memory_space<vmem>>, vector<128x256xf32>
    %get3A_175 = arith.constant 0 : index
    %get3A_176 = arith.constant 0 : index
    %get3A_177 = vector.load %arg18[%get3A_175, %get3A_176] : memref<1x128xf32, #tpu.memory_space<vmem>>, vector<1x128xf32>
    %get3A_178 = arith.constant 0 : index
    %get3A_179 = arith.constant 0 : index
    %get3A_180 = vector.load %arg19[%get3A_178, %get3A_179] : memref<1x128xf32, #tpu.memory_space<vmem>>, vector<1x128xf32>
    %get3A_181 = arith.constant 0 : index
    %get3A_182 = arith.constant 0 : index
    %get3A_183 = vector.load %arg20[%get3A_181, %get3A_182] : memref<1x128xf32, #tpu.memory_space<vmem>>, vector<1x128xf32>
    %dot_general3A_184 = arith.constant dense<0.000000e+00> : vector<128x256xf32>
    %dot_general3A_185 = tpu.matmul %concatenate3A, %get3A_168, %dot_general3A_184 {dimension_numbers = #tpu.dot_dimension_numbers<[1], [1], [0], [0], [0, 0, 1, 0], [], []>, precision = #tpu.contract_precision<fp32>, transpose_lhs_hint = false} : vector<128x128xf32>, vector<256x128xf32>, vector<128x256xf32> -> vector<128x256xf32>
    %add3A_186 = vector.broadcast %get3A_171 : vector<1x256xf32> to vector<128x256xf32>
    %add3A_187 = arith.addf %dot_general3A_185, %add3A_186 : vector<128x256xf32>
    %max3A_188 = arith.constant 0.000000e+00 : f32
    %max3A_189 = vector.broadcast %max3A_188 : f32 to vector<128x256xf32>
    %max3A_190 = arith.maximumf %add3A_187, %max3A_189 : vector<128x256xf32>
    %dot_general3A_191 = arith.constant dense<0.000000e+00> : vector<128x128xf32>
    %dot_general3A_192 = tpu.matmul %max3A_190, %get3A_174, %dot_general3A_191 {dimension_numbers = #tpu.dot_dimension_numbers<[1], [1], [0], [0], [0, 0, 1, 0], [], []>, precision = #tpu.contract_precision<fp32>, transpose_lhs_hint = false} : vector<128x256xf32>, vector<128x256xf32>, vector<128x128xf32> -> vector<128x128xf32>
    %add3A_193 = arith.addf %concatenate3A, %dot_general3A_192 : vector<128x128xf32>
    %add3A_194 = vector.broadcast %get3A_177 : vector<1x128xf32> to vector<128x128xf32>
    %add3A_195 = arith.addf %add3A_193, %add3A_194 : vector<128x128xf32>
    %reduce_sum3A_196 = arith.constant dense<0.000000e+00> : vector<128xf32>
    %reduce_sum3A_197 = vector.multi_reduction <add>, %add3A_195, %reduce_sum3A_196 [1] : vector<128x128xf32> to vector<128xf32>
    %broadcast_in_dim3A_198 = vector.shape_cast %reduce_sum3A_197 : vector<128xf32> to vector<128x1xf32>
    %div3A_199 = arith.constant 1.280000e+02 : f32
    %div3A_200 = vector.broadcast %div3A_199 : f32 to vector<128x1xf32>
    %div3A_201 = arith.divf %broadcast_in_dim3A_198, %div3A_200 : vector<128x1xf32>
    %sub3A_202 = vector.broadcast %div3A_201 : vector<128x1xf32> to vector<128x128xf32>
    %sub3A_203 = arith.subf %add3A_195, %sub3A_202 : vector<128x128xf32>
    %integer_pow3A = arith.mulf %sub3A_203, %sub3A_203 : vector<128x128xf32>
    %reduce_sum3A_204 = arith.constant dense<0.000000e+00> : vector<128xf32>
    %reduce_sum3A_205 = vector.multi_reduction <add>, %integer_pow3A, %reduce_sum3A_204 [1] : vector<128x128xf32> to vector<128xf32>
    %broadcast_in_dim3A_206 = vector.shape_cast %reduce_sum3A_205 : vector<128xf32> to vector<128x1xf32>
    %div3A_207 = arith.constant 1.280000e+02 : f32
    %div3A_208 = vector.broadcast %div3A_207 : f32 to vector<128x1xf32>
    %div3A_209 = arith.divf %broadcast_in_dim3A_206, %div3A_208 : vector<128x1xf32>
    %sub3A_210 = vector.broadcast %div3A_201 : vector<128x1xf32> to vector<128x128xf32>
    %sub3A_211 = arith.subf %add3A_195, %sub3A_210 : vector<128x128xf32>
    %mul3A_212 = vector.broadcast %get3A_180 : vector<1x128xf32> to vector<128x128xf32>
    %mul3A_213 = arith.mulf %mul3A_212, %sub3A_211 : vector<128x128xf32>
    %add3A_214 = arith.constant 9.99999997E-7 : f32
    %add3A_215 = vector.broadcast %add3A_214 : f32 to vector<128x1xf32>
    %add3A_216 = arith.addf %div3A_209, %add3A_215 : vector<128x1xf32>
    %rsqrt3A = math.rsqrt %add3A_216 : vector<128x1xf32>
    %mul3A_217 = vector.broadcast %rsqrt3A : vector<128x1xf32> to vector<128x128xf32>
    %mul3A_218 = arith.mulf %mul3A_213, %mul3A_217 : vector<128x128xf32>
    %add3A_219 = vector.broadcast %get3A_183 : vector<1x128xf32> to vector<128x128xf32>
    %add3A_220 = arith.addf %mul3A_218, %add3A_219 : vector<128x128xf32>
    %get3A_221 = arith.constant 0 : index
    %get3A_222 = arith.constant 0 : index
    %get3A_223 = vector.load %arg6[%get3A_221, %get3A_222] : memref<1x128xf32, #tpu.memory_space<vmem>>, vector<1x128xf32>
    %get3A_224 = arith.constant 0 : index
    %get3A_225 = arith.constant 0 : index
    %get3A_226 = vector.load %arg22[%get3A_224, %get3A_225] : memref<1024x256xf32, #tpu.memory_space<vmem>>, vector<1024x256xf32>
    %get3A_227 = arith.constant 0 : index
    %get3A_228 = arith.constant 0 : index
    %get3A_229 = vector.load %arg21[%get3A_227, %get3A_228] : memref<1024x128xf32, #tpu.memory_space<vmem>>, vector<1024x128xf32>
    %dot_general3A_230 = arith.constant dense<0.000000e+00> : vector<128x1024xf32>
    %dot_general3A_231 = tpu.matmul %add3A_220, %get3A_229, %dot_general3A_230 {dimension_numbers = #tpu.dot_dimension_numbers<[1], [1], [0], [0], [0, 0, 1, 0], [], []>, precision = #tpu.contract_precision<fp32>, transpose_lhs_hint = false} : vector<128x128xf32>, vector<1024x128xf32>, vector<128x1024xf32> -> vector<128x1024xf32>
    %get3A_232 = arith.constant 0 : index
    %get3A_233 = arith.constant 0 : index
    %get3A_234 = vector.load %arg23[%get3A_232, %get3A_233] : memref<1x1024xf32, #tpu.memory_space<vmem>>, vector<1x1024xf32>
    %add3A_235 = vector.broadcast %get3A_234 : vector<1x1024xf32> to vector<128x1024xf32>
    %add3A_236 = arith.addf %dot_general3A_231, %add3A_235 : vector<128x1024xf32>
    %get3A_237 = arith.constant 0 : index
    %get3A_238 = arith.constant 0 : index
    %get3A_239 = vector.load %arg24[%get3A_237, %get3A_238] : memref<1x1024xf32, #tpu.memory_space<vmem>>, vector<1x1024xf32>
    %add3A_240 = vector.broadcast %get3A_239 : vector<1x1024xf32> to vector<128x1024xf32>
    %add3A_241 = arith.addf %add3A_236, %add3A_240 : vector<128x1024xf32>
    %slice3A_242 = vector.extract_strided_slice %get3A_226 {offsets = [0, 128], sizes = [1024, 128], strides = [1, 1]} : vector<1024x256xf32> to vector<1024x128xf32>
    %dot_general3A_243 = arith.constant dense<0.000000e+00> : vector<1x1024xf32>
    %dot_general3A_244 = tpu.matmul %get3A_223, %slice3A_242, %dot_general3A_243 {dimension_numbers = #tpu.dot_dimension_numbers<[1], [1], [0], [0], [0, 0, 1, 0], [], []>, precision = #tpu.contract_precision<fp32>, transpose_lhs_hint = false} : vector<1x128xf32>, vector<1024x128xf32>, vector<1x1024xf32> -> vector<1x1024xf32>
    %broadcast_in_dim3A_245 = arith.constant 0.000000e+00 : f32
    %broadcast_in_dim3A_246 = vector.broadcast %broadcast_in_dim3A_245 : f32 to vector<128x256xf32>
    %slice3A_247 = vector.extract_strided_slice %add3A_241 {offsets = [0, 0], sizes = [128, 256], strides = [1, 1]} : vector<128x1024xf32> to vector<128x256xf32>
    %slice3A_248 = vector.extract_strided_slice %add3A_241 {offsets = [0, 256], sizes = [128, 256], strides = [1, 1]} : vector<128x1024xf32> to vector<128x256xf32>
    %slice3A_249 = vector.extract_strided_slice %add3A_241 {offsets = [0, 512], sizes = [128, 256], strides = [1, 1]} : vector<128x1024xf32> to vector<128x256xf32>
    %slice3A_250 = vector.extract_strided_slice %add3A_241 {offsets = [0, 768], sizes = [128, 256], strides = [1, 1]} : vector<128x1024xf32> to vector<128x256xf32>
    %logistic3A_251 = arith.negf %slice3A_248 : vector<128x256xf32>
    %logistic3A_252 = math.exp %logistic3A_251 : vector<128x256xf32>
    %logistic3A_253 = arith.constant 1.000000e+00 : f32
    %logistic3A_254 = vector.broadcast %logistic3A_253 : f32 to vector<128x256xf32>
    %logistic3A_255 = arith.addf %logistic3A_254, %logistic3A_252 : vector<128x256xf32>
    %logistic3A_256 = arith.divf %logistic3A_254, %logistic3A_255 : vector<128x256xf32>
    %mul3A_257 = arith.mulf %logistic3A_256, %broadcast_in_dim3A_246 : vector<128x256xf32>
    %logistic3A_258 = arith.negf %slice3A_247 : vector<128x256xf32>
    %logistic3A_259 = math.exp %logistic3A_258 : vector<128x256xf32>
    %logistic3A_260 = arith.constant 1.000000e+00 : f32
    %logistic3A_261 = vector.broadcast %logistic3A_260 : f32 to vector<128x256xf32>
    %logistic3A_262 = arith.addf %logistic3A_261, %logistic3A_259 : vector<128x256xf32>
    %logistic3A_263 = arith.divf %logistic3A_261, %logistic3A_262 : vector<128x256xf32>
    %tanh3A_264 = math.tanh %slice3A_249 : vector<128x256xf32>
    %mul3A_265 = arith.mulf %logistic3A_263, %tanh3A_264 : vector<128x256xf32>
    %add3A_266 = arith.addf %mul3A_257, %mul3A_265 : vector<128x256xf32>
    %logistic3A_267 = arith.negf %slice3A_250 : vector<128x256xf32>
    %logistic3A_268 = math.exp %logistic3A_267 : vector<128x256xf32>
    %logistic3A_269 = arith.constant 1.000000e+00 : f32
    %logistic3A_270 = vector.broadcast %logistic3A_269 : f32 to vector<128x256xf32>
    %logistic3A_271 = arith.addf %logistic3A_270, %logistic3A_268 : vector<128x256xf32>
    %logistic3A_272 = arith.divf %logistic3A_270, %logistic3A_271 : vector<128x256xf32>
    %tanh3A_273 = math.tanh %add3A_266 : vector<128x256xf32>
    %mul3A_274 = arith.mulf %logistic3A_272, %tanh3A_273 : vector<128x256xf32>
    %slice3A_275 = vector.extract_strided_slice %mul3A_274 {offsets = [0, 0], sizes = [128, 128], strides = [1, 1]} : vector<128x256xf32> to vector<128x128xf32>
    %add3A_276 = arith.addf %add3A_220, %slice3A_275 : vector<128x128xf32>
    %slice3A_277 = vector.extract_strided_slice %get3A_226 {offsets = [0, 0], sizes = [1024, 128], strides = [1, 1]} : vector<1024x256xf32> to vector<1024x128xf32>
    %dot_general3A_278 = arith.constant dense<0.000000e+00> : vector<128x1024xf32>
    %dot_general3A_279 = tpu.matmul %add3A_276, %slice3A_277, %dot_general3A_278 {dimension_numbers = #tpu.dot_dimension_numbers<[1], [1], [0], [0], [0, 0, 1, 0], [], []>, precision = #tpu.contract_precision<fp32>, transpose_lhs_hint = false} : vector<128x128xf32>, vector<1024x128xf32>, vector<128x1024xf32> -> vector<128x1024xf32>
    %add3A_280 = arith.addf %add3A_241, %dot_general3A_279 : vector<128x1024xf32>
    %add3A_281 = vector.broadcast %dot_general3A_244 : vector<1x1024xf32> to vector<128x1024xf32>
    %add3A_282 = arith.addf %add3A_280, %add3A_281 : vector<128x1024xf32>
    %slice3A_283 = vector.extract_strided_slice %add3A_282 {offsets = [0, 0], sizes = [128, 256], strides = [1, 1]} : vector<128x1024xf32> to vector<128x256xf32>
    %slice3A_284 = vector.extract_strided_slice %add3A_282 {offsets = [0, 256], sizes = [128, 256], strides = [1, 1]} : vector<128x1024xf32> to vector<128x256xf32>
    %slice3A_285 = vector.extract_strided_slice %add3A_282 {offsets = [0, 512], sizes = [128, 256], strides = [1, 1]} : vector<128x1024xf32> to vector<128x256xf32>
    %slice3A_286 = vector.extract_strided_slice %add3A_282 {offsets = [0, 768], sizes = [128, 256], strides = [1, 1]} : vector<128x1024xf32> to vector<128x256xf32>
    %logistic3A_287 = arith.negf %slice3A_284 : vector<128x256xf32>
    %logistic3A_288 = math.exp %logistic3A_287 : vector<128x256xf32>
    %logistic3A_289 = arith.constant 1.000000e+00 : f32
    %logistic3A_290 = vector.broadcast %logistic3A_289 : f32 to vector<128x256xf32>
    %logistic3A_291 = arith.addf %logistic3A_290, %logistic3A_288 : vector<128x256xf32>
    %logistic3A_292 = arith.divf %logistic3A_290, %logistic3A_291 : vector<128x256xf32>
    %mul3A_293 = arith.mulf %logistic3A_292, %add3A_266 : vector<128x256xf32>
    %logistic3A_294 = arith.negf %slice3A_283 : vector<128x256xf32>
    %logistic3A_295 = math.exp %logistic3A_294 : vector<128x256xf32>
    %logistic3A_296 = arith.constant 1.000000e+00 : f32
    %logistic3A_297 = vector.broadcast %logistic3A_296 : f32 to vector<128x256xf32>
    %logistic3A_298 = arith.addf %logistic3A_297, %logistic3A_295 : vector<128x256xf32>
    %logistic3A_299 = arith.divf %logistic3A_297, %logistic3A_298 : vector<128x256xf32>
    %tanh3A_300 = math.tanh %slice3A_285 : vector<128x256xf32>
    %mul3A_301 = arith.mulf %logistic3A_299, %tanh3A_300 : vector<128x256xf32>
    %add3A_302 = arith.addf %mul3A_293, %mul3A_301 : vector<128x256xf32>
    %logistic3A_303 = arith.negf %slice3A_286 : vector<128x256xf32>
    %logistic3A_304 = math.exp %logistic3A_303 : vector<128x256xf32>
    %logistic3A_305 = arith.constant 1.000000e+00 : f32
    %logistic3A_306 = vector.broadcast %logistic3A_305 : f32 to vector<128x256xf32>
    %logistic3A_307 = arith.addf %logistic3A_306, %logistic3A_304 : vector<128x256xf32>
    %logistic3A_308 = arith.divf %logistic3A_306, %logistic3A_307 : vector<128x256xf32>
    %tanh3A_309 = math.tanh %add3A_302 : vector<128x256xf32>
    %mul3A_310 = arith.mulf %logistic3A_308, %tanh3A_309 : vector<128x256xf32>
    %slice3A_311 = vector.extract_strided_slice %mul3A_310 {offsets = [0, 0], sizes = [128, 128], strides = [1, 1]} : vector<128x256xf32> to vector<128x128xf32>
    %add3A_312 = arith.addf %add3A_220, %slice3A_311 : vector<128x128xf32>
    %slice3A_313 = vector.extract_strided_slice %get3A_226 {offsets = [0, 0], sizes = [1024, 128], strides = [1, 1]} : vector<1024x256xf32> to vector<1024x128xf32>
    %dot_general3A_314 = arith.constant dense<0.000000e+00> : vector<128x1024xf32>
    %dot_general3A_315 = tpu.matmul %add3A_312, %slice3A_313, %dot_general3A_314 {dimension_numbers = #tpu.dot_dimension_numbers<[1], [1], [0], [0], [0, 0, 1, 0], [], []>, precision = #tpu.contract_precision<fp32>, transpose_lhs_hint = false} : vector<128x128xf32>, vector<1024x128xf32>, vector<128x1024xf32> -> vector<128x1024xf32>
    %add3A_316 = arith.addf %add3A_241, %dot_general3A_315 : vector<128x1024xf32>
    %add3A_317 = vector.broadcast %dot_general3A_244 : vector<1x1024xf32> to vector<128x1024xf32>
    %add3A_318 = arith.addf %add3A_316, %add3A_317 : vector<128x1024xf32>
    %slice3A_319 = vector.extract_strided_slice %add3A_318 {offsets = [0, 0], sizes = [128, 256], strides = [1, 1]} : vector<128x1024xf32> to vector<128x256xf32>
    %slice3A_320 = vector.extract_strided_slice %add3A_318 {offsets = [0, 256], sizes = [128, 256], strides = [1, 1]} : vector<128x1024xf32> to vector<128x256xf32>
    %slice3A_321 = vector.extract_strided_slice %add3A_318 {offsets = [0, 512], sizes = [128, 256], strides = [1, 1]} : vector<128x1024xf32> to vector<128x256xf32>
    %slice3A_322 = vector.extract_strided_slice %add3A_318 {offsets = [0, 768], sizes = [128, 256], strides = [1, 1]} : vector<128x1024xf32> to vector<128x256xf32>
    %logistic3A_323 = arith.negf %slice3A_320 : vector<128x256xf32>
    %logistic3A_324 = math.exp %logistic3A_323 : vector<128x256xf32>
    %logistic3A_325 = arith.constant 1.000000e+00 : f32
    %logistic3A_326 = vector.broadcast %logistic3A_325 : f32 to vector<128x256xf32>
    %logistic3A_327 = arith.addf %logistic3A_326, %logistic3A_324 : vector<128x256xf32>
    %logistic3A_328 = arith.divf %logistic3A_326, %logistic3A_327 : vector<128x256xf32>
    %mul3A_329 = arith.mulf %logistic3A_328, %add3A_302 : vector<128x256xf32>
    %logistic3A_330 = arith.negf %slice3A_319 : vector<128x256xf32>
    %logistic3A_331 = math.exp %logistic3A_330 : vector<128x256xf32>
    %logistic3A_332 = arith.constant 1.000000e+00 : f32
    %logistic3A_333 = vector.broadcast %logistic3A_332 : f32 to vector<128x256xf32>
    %logistic3A_334 = arith.addf %logistic3A_333, %logistic3A_331 : vector<128x256xf32>
    %logistic3A_335 = arith.divf %logistic3A_333, %logistic3A_334 : vector<128x256xf32>
    %tanh3A_336 = math.tanh %slice3A_321 : vector<128x256xf32>
    %mul3A_337 = arith.mulf %logistic3A_335, %tanh3A_336 : vector<128x256xf32>
    %add3A_338 = arith.addf %mul3A_329, %mul3A_337 : vector<128x256xf32>
    %logistic3A_339 = arith.negf %slice3A_322 : vector<128x256xf32>
    %logistic3A_340 = math.exp %logistic3A_339 : vector<128x256xf32>
    %logistic3A_341 = arith.constant 1.000000e+00 : f32
    %logistic3A_342 = vector.broadcast %logistic3A_341 : f32 to vector<128x256xf32>
    %logistic3A_343 = arith.addf %logistic3A_342, %logistic3A_340 : vector<128x256xf32>
    %logistic3A_344 = arith.divf %logistic3A_342, %logistic3A_343 : vector<128x256xf32>
    %tanh3A_345 = math.tanh %add3A_338 : vector<128x256xf32>
    %mul3A_346 = arith.mulf %logistic3A_344, %tanh3A_345 : vector<128x256xf32>
    %slice3A_347 = vector.extract_strided_slice %mul3A_346 {offsets = [0, 0], sizes = [128, 128], strides = [1, 1]} : vector<128x256xf32> to vector<128x128xf32>
    %add3A_348 = arith.addf %add3A_220, %slice3A_347 : vector<128x128xf32>
    %slice3A_349 = vector.extract_strided_slice %get3A_226 {offsets = [0, 0], sizes = [1024, 128], strides = [1, 1]} : vector<1024x256xf32> to vector<1024x128xf32>
    %dot_general3A_350 = arith.constant dense<0.000000e+00> : vector<128x1024xf32>
    %dot_general3A_351 = tpu.matmul %add3A_348, %slice3A_349, %dot_general3A_350 {dimension_numbers = #tpu.dot_dimension_numbers<[1], [1], [0], [0], [0, 0, 1, 0], [], []>, precision = #tpu.contract_precision<fp32>, transpose_lhs_hint = false} : vector<128x128xf32>, vector<1024x128xf32>, vector<128x1024xf32> -> vector<128x1024xf32>
    %add3A_352 = arith.addf %add3A_241, %dot_general3A_351 : vector<128x1024xf32>
    %add3A_353 = vector.broadcast %dot_general3A_244 : vector<1x1024xf32> to vector<128x1024xf32>
    %add3A_354 = arith.addf %add3A_352, %add3A_353 : vector<128x1024xf32>
    %slice3A_355 = vector.extract_strided_slice %add3A_354 {offsets = [0, 0], sizes = [128, 256], strides = [1, 1]} : vector<128x1024xf32> to vector<128x256xf32>
    %slice3A_356 = vector.extract_strided_slice %add3A_354 {offsets = [0, 256], sizes = [128, 256], strides = [1, 1]} : vector<128x1024xf32> to vector<128x256xf32>
    %slice3A_357 = vector.extract_strided_slice %add3A_354 {offsets = [0, 512], sizes = [128, 256], strides = [1, 1]} : vector<128x1024xf32> to vector<128x256xf32>
    %slice3A_358 = vector.extract_strided_slice %add3A_354 {offsets = [0, 768], sizes = [128, 256], strides = [1, 1]} : vector<128x1024xf32> to vector<128x256xf32>
    %logistic3A_359 = arith.negf %slice3A_356 : vector<128x256xf32>
    %logistic3A_360 = math.exp %logistic3A_359 : vector<128x256xf32>
    %logistic3A_361 = arith.constant 1.000000e+00 : f32
    %logistic3A_362 = vector.broadcast %logistic3A_361 : f32 to vector<128x256xf32>
    %logistic3A_363 = arith.addf %logistic3A_362, %logistic3A_360 : vector<128x256xf32>
    %logistic3A_364 = arith.divf %logistic3A_362, %logistic3A_363 : vector<128x256xf32>
    %mul3A_365 = arith.mulf %logistic3A_364, %add3A_338 : vector<128x256xf32>
    %logistic3A_366 = arith.negf %slice3A_355 : vector<128x256xf32>
    %logistic3A_367 = math.exp %logistic3A_366 : vector<128x256xf32>
    %logistic3A_368 = arith.constant 1.000000e+00 : f32
    %logistic3A_369 = vector.broadcast %logistic3A_368 : f32 to vector<128x256xf32>
    %logistic3A_370 = arith.addf %logistic3A_369, %logistic3A_367 : vector<128x256xf32>
    %logistic3A_371 = arith.divf %logistic3A_369, %logistic3A_370 : vector<128x256xf32>
    %tanh3A_372 = math.tanh %slice3A_357 : vector<128x256xf32>
    %mul3A_373 = arith.mulf %logistic3A_371, %tanh3A_372 : vector<128x256xf32>
    %add3A_374 = arith.addf %mul3A_365, %mul3A_373 : vector<128x256xf32>
    %logistic3A_375 = arith.negf %slice3A_358 : vector<128x256xf32>
    %logistic3A_376 = math.exp %logistic3A_375 : vector<128x256xf32>
    %logistic3A_377 = arith.constant 1.000000e+00 : f32
    %logistic3A_378 = vector.broadcast %logistic3A_377 : f32 to vector<128x256xf32>
    %logistic3A_379 = arith.addf %logistic3A_378, %logistic3A_376 : vector<128x256xf32>
    %logistic3A_380 = arith.divf %logistic3A_378, %logistic3A_379 : vector<128x256xf32>
    %tanh3A_381 = math.tanh %add3A_374 : vector<128x256xf32>
    %mul3A_382 = arith.mulf %logistic3A_380, %tanh3A_381 : vector<128x256xf32>
    %slice3A_383 = vector.extract_strided_slice %mul3A_382 {offsets = [0, 0], sizes = [128, 128], strides = [1, 1]} : vector<128x256xf32> to vector<128x128xf32>
    %add3A_384 = arith.addf %add3A_220, %slice3A_383 : vector<128x128xf32>
    %mul3A_385 = vector.broadcast %get3A_223 : vector<1x128xf32> to vector<128x128xf32>
    %mul3A_386 = arith.mulf %add3A_384, %mul3A_385 : vector<128x128xf32>
    %reduce_sum3A_387 = arith.constant dense<0.000000e+00> : vector<128xf32>
    %reduce_sum3A_388 = vector.multi_reduction <add>, %mul3A_386, %reduce_sum3A_387 [1] : vector<128x128xf32> to vector<128xf32>
    %broadcast_in_dim3A_389 = vector.shape_cast %reduce_sum3A_388 : vector<128xf32> to vector<128x1xf32>
    %swap3A = arith.constant 0 : index
    %swap3A_390 = arith.constant 0 : index
    %swap3A_391 = vector.load %arg25[%swap3A, %swap3A_390] : memref<128x1xf32, #tpu.memory_space<vmem>>, vector<128x1xf32>
    tpu.vector_store %arg25[%swap3A, %swap3A_390], %broadcast_in_dim3A_389 {strides = array<i32>} : memref<128x1xf32, #tpu.memory_space<vmem>>, vector<128x1xf32>,
    return
  }
  func.func @transform_0(%arg0: i32) -> (i32, i32) {
    %c0_i32 = arith.constant 0 : i32
    %c0_i32_0 = arith.constant 0 : i32
    return %arg0, %c0_i32 : i32, i32
  }
  func.func @transform_1(%arg0: i32) -> (i32, i32) {
    %c0_i32 = arith.constant 0 : i32
    %c0_i32_0 = arith.constant 0 : i32
    return %arg0, %c0_i32 : i32, i32
  }
  func.func @transform_2(%arg0: i32) -> (i32, i32) {
    %c0_i32 = arith.constant 0 : i32
    %c0_i32_0 = arith.constant 0 : i32
    return %arg0, %c0_i32 : i32, i32
  }
  func.func @transform_3(%arg0: i32) -> (i32, i32) {
    %c0_i32 = arith.constant 0 : i32
    %c0_i32_0 = arith.constant 0 : i32
    return %arg0, %c0_i32 : i32, i32
  }
  func.func @transform_4(%arg0: i32) -> (i32, i32) {
    %c0_i32 = arith.constant 0 : i32
    %c0_i32_0 = arith.constant 0 : i32
    return %arg0, %c0_i32 : i32, i32
  }
  func.func @transform_5(%arg0: i32) -> (i32, i32) {
    %c0_i32 = arith.constant 0 : i32
    %c0_i32_0 = arith.constant 0 : i32
    %c0_i32_1 = arith.constant 0 : i32
    return %c0_i32, %c0_i32_0 : i32, i32
  }
  func.func @transform_6(%arg0: i32) -> (i32, i32) {
    %c0_i32 = arith.constant 0 : i32
    %c0_i32_0 = arith.constant 0 : i32
    %c0_i32_1 = arith.constant 0 : i32
    return %c0_i32, %c0_i32_0 : i32, i32
  }
  func.func @transform_7(%arg0: i32) -> (i32, i32) {
    %c0_i32 = arith.constant 0 : i32
    %c0_i32_0 = arith.constant 0 : i32
    %c0_i32_1 = arith.constant 0 : i32
    return %c0_i32, %c0_i32_0 : i32, i32
  }
  func.func @transform_8(%arg0: i32) -> (i32, i32) {
    %c0_i32 = arith.constant 0 : i32
    %c0_i32_0 = arith.constant 0 : i32
    %c0_i32_1 = arith.constant 0 : i32
    return %c0_i32, %c0_i32_0 : i32, i32
  }
  func.func @transform_9(%arg0: i32) -> (i32, i32) {
    %c0_i32 = arith.constant 0 : i32
    %c0_i32_0 = arith.constant 0 : i32
    %c0_i32_1 = arith.constant 0 : i32
    return %c0_i32, %c0_i32_0 : i32, i32
  }
  func.func @transform_10(%arg0: i32) -> (i32, i32) {
    %c0_i32 = arith.constant 0 : i32
    %c0_i32_0 = arith.constant 0 : i32
    %c0_i32_1 = arith.constant 0 : i32
    return %c0_i32, %c0_i32_0 : i32, i32
  }
  func.func @transform_11(%arg0: i32) -> (i32, i32) {
    %c0_i32 = arith.constant 0 : i32
    %c0_i32_0 = arith.constant 0 : i32
    %c0_i32_1 = arith.constant 0 : i32
    return %c0_i32, %c0_i32_0 : i32, i32
  }
  func.func @transform_12(%arg0: i32) -> (i32, i32) {
    %c0_i32 = arith.constant 0 : i32
    %c0_i32_0 = arith.constant 0 : i32
    %c0_i32_1 = arith.constant 0 : i32
    return %c0_i32, %c0_i32_0 : i32, i32
  }
  func.func @transform_13(%arg0: i32) -> (i32, i32) {
    %c0_i32 = arith.constant 0 : i32
    %c0_i32_0 = arith.constant 0 : i32
    %c0_i32_1 = arith.constant 0 : i32
    return %c0_i32, %c0_i32_0 : i32, i32
  }
  func.func @transform_14(%arg0: i32) -> (i32, i32) {
    %c0_i32 = arith.constant 0 : i32
    %c0_i32_0 = arith.constant 0 : i32
    %c0_i32_1 = arith.constant 0 : i32
    return %c0_i32, %c0_i32_0 : i32, i32
  }
  func.func @transform_15(%arg0: i32) -> (i32, i32) {
    %c0_i32 = arith.constant 0 : i32
    %c0_i32_0 = arith.constant 0 : i32
    %c0_i32_1 = arith.constant 0 : i32
    return %c0_i32, %c0_i32_0 : i32, i32
  }
  func.func @transform_16(%arg0: i32) -> (i32, i32) {
    %c0_i32 = arith.constant 0 : i32
    %c0_i32_0 = arith.constant 0 : i32
    %c0_i32_1 = arith.constant 0 : i32
    return %c0_i32, %c0_i32_0 : i32, i32
  }
  func.func @transform_17(%arg0: i32) -> (i32, i32) {
    %c0_i32 = arith.constant 0 : i32
    %c0_i32_0 = arith.constant 0 : i32
    %c0_i32_1 = arith.constant 0 : i32
    return %c0_i32, %c0_i32_0 : i32, i32
  }
  func.func @transform_18(%arg0: i32) -> (i32, i32) {
    %c0_i32 = arith.constant 0 : i32
    %c0_i32_0 = arith.constant 0 : i32
    %c0_i32_1 = arith.constant 0 : i32
    return %c0_i32, %c0_i32_0 : i32, i32
  }
  func.func @transform_19(%arg0: i32) -> (i32, i32) {
    %c0_i32 = arith.constant 0 : i32
    %c0_i32_0 = arith.constant 0 : i32
    %c0_i32_1 = arith.constant 0 : i32
    return %c0_i32, %c0_i32_0 : i32, i32
  }
  func.func @transform_20(%arg0: i32) -> (i32, i32) {
    %c0_i32 = arith.constant 0 : i32
    %c0_i32_0 = arith.constant 0 : i32
    %c0_i32_1 = arith.constant 0 : i32
    return %c0_i32, %c0_i32_0 : i32, i32
  }
  func.func @transform_21(%arg0: i32) -> (i32, i32) {
    %c0_i32 = arith.constant 0 : i32
    %c0_i32_0 = arith.constant 0 : i32
    %c0_i32_1 = arith.constant 0 : i32
    return %c0_i32, %c0_i32_0 : i32, i32
  }
  func.func @transform_22(%arg0: i32) -> (i32, i32) {
    %c0_i32 = arith.constant 0 : i32
    %c0_i32_0 = arith.constant 0 : i32
    %c0_i32_1 = arith.constant 0 : i32
    return %c0_i32, %c0_i32_0 : i32, i32
  }
  func.func @transform_23(%arg0: i32) -> (i32, i32) {
    %c0_i32 = arith.constant 0 : i32
    %c0_i32_0 = arith.constant 0 : i32
    %c0_i32_1 = arith.constant 0 : i32
    return %c0_i32, %c0_i32_0 : i32, i32
  }
  func.func @transform_24(%arg0: i32) -> (i32, i32) {
    %c0_i32 = arith.constant 0 : i32
    %c0_i32_0 = arith.constant 0 : i32
    return %arg0, %c0_i32 : i32, i32
  }
}

</mosaic_0001>

<sc_bundles>
// kernel: kernel.5.cloned.1.call-start
scs
__scs_entry_jumppad:
0x0: {  	(pc) =	sbr.rel $0x88, $3  }
0x1: {  	(tag) =	ssettag $0x0;
	lr =	simm.s32 $0x1  }
0x2: {  	[smem:$0x3F84] =	sst lr;
	_ =	strace $0xD0000000  }
0x3: {  	_ = 	snop  }
0x4: {  	_ = 	snop  }
0x5: {  	_ = 	snop  }
0x6: {  	_ = 	snop  }
0x7: {  	_ = 	snop  }
__scs_overlays_trampoline_lowered:
0x8: {  	[smem:$0x3F93] =	sst s0  }
0x9: {  	[smem:$0x3F94] =	sst s1  }
0xa: {  	[smem:$0x3F95] =	sst s2  }
0xb: {  	[smem:$0x3F96] =	sst s3  }
0xc: {  	[smem:$0x3F97] =	sst s4  }
0xd: {  	[smem:$0x3F98] =	sst s5  }
0xe: {  	[smem:$0x3F99] =	sst s6  }
0xf: {  	[smem:$0x3F9A] =	sst s7  }
0x10: {  	[smem:$0x3F9B] =	sst s8  }
0x11: {  	[smem:$0x3F9C] =	sst s9;
	s0 =	simm.s32 @!p0 $0x0  }
0x12: {  	s1 =	sld [smem:$0x3F82];
	s0 =	simm.s32 @p0 $0x1  }
0x13: {  	[smem:$0x3F9D] =	sst s0;
	s0 =	simm.s32 @!p1 $0x0  }
0x14: {  	s2 =	sld [smem:$0x3F81];
	s0 =	simm.s32 @p1 $0x1  }
0x15: {  	[smem:$0x3F9E] =	sst s0;
	s0 =	simm.s32 @!p2 $0x0  }
0x16: {  	s3 =	sld [smem:$0x3FDB];
	s0 =	simm.s32 @p2 $0x1  }
0x17: {  	s4 =	simm.s32 $0x1BF5;
	[smem:$0x3FA0] =	sst s0  }
0x18: {  	s0 =	sld [smem:$0x3F83];
	_ =	swait.ge [sflag:s4], $0x0  }
0x19: {  	s7 =	sld [smem:$0x3F84]  }
0x1a: {  	s8 =	sadd.s32 $0xFFFFE003, lr  }
0x1b: {  	s9 =	sadd.s32 $0xFFFFFEF7, lr;
	s5 =	simm.s32 $0xFFFFFFFF;
	p2 =	slt.u32 s8, $0xFFFFF086  }
0x1c: {  	p1 =	slt.u32 s9, $0xF7A;
	s5 =	simm.s32 @!p2 $0x0  }
0x1d: {  	s5 =	simm.s32 @p1 $0x1;
	p0 =	seq.s32 s7, s2  }
0x1e: {  	s7 =	smul.u32 @!p0 $0xF7A, s2;
	p2 =	seq.s32 @!p0 s5, $0x0  }
0x1f: {  	s9 =	smul.u32 $0xF7A, s1;
	s8 =	simm.s32 @!p0 $0x1BF5;
	p2 =	por !p2, p0  }
0x20: {  	[sflag:s8] =	ssyncset.s32 @!p0 $0xFFFFF086;
	s6 =	sadd.s32 @!p0 s3, s7;
	s7 =	simm.s32 @!p0 $0x108  }
0x21: {  	s3 =	sadd.s32 s3, s9;
	s6 =	sadd.s32 @!p0 $0x88, s6;
	s7 =	simm.s32 @p2 $0x1082  }
0x22: {  	[simem:s7], [sflag:s8] =	dma.local @!p0 [hbm:s6], $0xF7A  }
0x23: {  	s9 =	sor.u32 $0xD0000000, s2;
	s6 =	simm.s32 $0x108;
	_ =	swait.ge @!p0 [sflag:s8], $0x0  }
0x24: {  	s3 =	sadd.s32 $0x88, s3;
	s6 =	simm.s32 @!p1 $0x1082;
	[sflag:s4] =	ssyncset.s32 $0xFFFFF086  }
0x25: {  	[simem:s6], [sflag:s4] =	dma.local [hbm:s3], $0xF7A  }
0x26: {  	[smem:$0x3F84] =	sst s1;
	(tag) =	ssettag s2;
	_ =	strace s9  }
0x27: {  	s1 =	sld [smem:$0x3F94]  }
0x28: {  	s2 =	sld [smem:$0x3F95]  }
0x29: {  	s4 =	sld [smem:$0x3F97]  }
0x2a: {  	p0 =	seq.s32 s5, $0x0;
	s5 =	sld [smem:$0x3F98]  }
0x2b: {  	s6 =	sld [smem:$0x3F99]  }
0x2c: {  	s7 =	sld [smem:$0x3F9A]  }
0x2d: {  	s3 =	simm.s32 $0x108;
	s8 =	sld [smem:$0x3F9B]  }
0x2e: {  	s3 =	simm.s32 @!p0 $0x1082;
	s9 =	sld [smem:$0x3F9C]  }
0x2f: {  	lr =	sadd.s32 s0, s3;
	s0 =	sld [smem:$0x3F93]  }
0x30: {  	s3 =	sld [smem:$0x3F96]  }
0x31: {  	[smem:$0x3F9F] =	sst s10  }
0x32: {  	s10 =	sld [smem:$0x3F9D];
	_ =	sdelay $0x3  }
0x33: {  	p0 =	seq.s32 s10, $0x1;
	s10 =	sld [smem:$0x3F9F];
	_ =	sdelay $0x3  }
0x34: {  	[smem:$0x3F9F] =	sst s10  }
0x35: {  	s10 =	sld [smem:$0x3F9E];
	_ =	sdelay $0x3  }
0x36: {  	p1 =	seq.s32 s10, $0x1;
	s10 =	sld [smem:$0x3F9F];
	_ =	sdelay $0x3  }
0x37: {  	[smem:$0x3F9F] =	sst s10  }
0x38: {  	s10 =	sld [smem:$0x3FA0]  }
0x39: {  	_ = 	snop;
	(pc) =	sbr.ind lr, $3  }
0x3a: {  	_ = 	snop  }
0x3b: {  	_ = 	snop  }
0x3c: {  	p2 =	seq.s32 s10, $0x1;
	s10 =	sld [smem:$0x3F9F]  }
0x3d: {  	_ =	shalt  }
0x3e: {  	_ =	shalt  }
0x3f: {  	_ =	shalt  }
0x40: {  	_ =	shalt  }
0x41: {  	_ =	shalt  }
0x42: {  	_ =	shalt  }
0x43: {  	_ =	shalt  }
0x44: {  	_ =	shalt  }
0x45: {  	_ =	shalt  }
0x46: {  	_ =	shalt  }
0x47: {  	_ =	shalt  }
0x48: {  	_ =	shalt  }
0x49: {  	_ =	shalt  }
0x4a: {  	_ =	shalt  }
0x4b: {  	_ =	shalt  }
0x4c: {  	_ =	shalt  }
0x4d: {  	_ =	shalt  }
0x4e: {  	_ =	shalt  }
0x4f: {  	_ =	shalt  }
0x50: {  	_ =	shalt  }
0x51: {  	_ =	shalt  }
0x52: {  	_ =	shalt  }
0x53: {  	_ =	shalt  }
0x54: {  	_ =	shalt  }
0x55: {  	_ =	shalt  }
0x56: {  	_ =	shalt  }
0x57: {  	_ =	shalt  }
0x58: {  	_ =	shalt  }
0x59: {  	_ =	shalt  }
0x5a: {  	_ =	shalt  }
0x5b: {  	_ =	shalt  }
0x5c: {  	_ =	shalt  }
0x5d: {  	_ =	shalt  }
0x5e: {  	_ =	shalt  }
0x5f: {  	_ =	shalt  }
0x60: {  	_ =	shalt  }
0x61: {  	_ =	shalt  }
0x62: {  	_ =	shalt  }
0x63: {  	_ =	shalt  }
0x64: {  	_ =	shalt  }
0x65: {  	_ =	shalt  }
0x66: {  	_ =	shalt  }
0x67: {  	_ =	shalt  }
0x68: {  	_ =	shalt  }
0x69: {  	_ =	shalt  }
0x6a: {  	_ =	shalt  }
0x6b: {  	_ =	shalt  }
0x6c: {  	_ =	shalt  }
0x6d: {  	_ =	shalt  }
0x6e: {  	_ =	shalt  }
0x6f: {  	_ =	shalt  }
0x70: {  	_ =	shalt  }
0x71: {  	_ =	shalt  }
0x72: {  	_ =	shalt  }
0x73: {  	_ =	shalt  }
0x74: {  	_ =	shalt  }
0x75: {  	_ =	shalt  }
0x76: {  	_ =	shalt  }
0x77: {  	_ =	shalt  }
0x78: {  	_ =	shalt  }
0x79: {  	_ =	shalt  }
0x7a: {  	_ =	shalt  }
0x7b: {  	_ =	shalt  }
0x7c: {  	_ =	shalt  }
0x7d: {  	_ =	shalt  }
0x7e: {  	_ =	shalt  }
0x7f: {  	_ =	shalt  }
0x80: {  	_ =	shalt  }
0x81: {  	_ =	shalt  }
0x82: {  	_ =	shalt  }
0x83: {  	_ =	shalt  }
0x84: {  	_ =	shalt  }
0x85: {  	_ =	shalt  }
0x86: {  	_ =	shalt  }
0x87: {  	_ =	shalt  }
.Lfunc_end0:
.L_simem_size_0:
called_computation_lowered:
.L_overlay_start_0:
0x88: {  	s2 =	sld [smem:$0x3FD9]  }
0x89: {  	s3 =	sld [smem:$0x3FFE];
	_ =	sdelay $0x1  }
0x8a: {  	s1 =	srdreg.scid  }
0x8b: {  	s0 =	sand.u32 $0x1, s1  }
0x8c: {  	s17 =	sshll.u32 s0, $0xA;
	s2 =	sadd.s32 s3, s2  }
0x8d: {  	s2 =	sadd.s32 s2, s17  }
0x8e: {  	[smem:$0x3FAB] =	sst s2  }
0x8f: {  	_ = 	snop  }
0x90: {  	s2 =	sld [smem:$0x3FD0];
	(tm) =	ssettm $0x1  }
0x91: {  	s18 =	sld [smem:$0x3FFB];
	_ =	sdelay $0x3  }
0x92: {  	_ =	strace s18  }
0x93: {  	s3 =	sld [smem:$0x3FFC];
	_ =	sdelay $0x3  }
0x94: {  	_ =	strace s3  }
0x95: {  	s3 =	sld [smem:$0x3FFD];
	_ =	sdelay $0x3  }
0x96: {  	_ =	strace s3  }
0x97: {  	_ =	strace $0x8FFFFFFF  }
0x98: {  	s19 =	sld [smem:$0x3FDB];
	_ =	sdelay $0x1  }
0x99: {  	s4 =	simm.s32 $_scs_section_size  }
0x9a: {  	s5 =	simm.s32 $_size__tile_overlayer_lowered;
	s6 =	simm.s32 $_tile_overlayer_lowered  }
0x9b: {  	s22 =	simm.s32 $0x1BFF;
	s21 =	sshll.u32 s6, $0x1;
	s3 =	sadd.s32 s4, s19  }
0x9c: {  	s7 =	simm.s32 $0x0;
	s20 =	sshll.u32 s5, $0x1;
	s5 =	sadd.s32 s21, s3  }
0x9d: {  	[timem:s7], [sflag:s22] =	dma.local [hbm:s5], s20  }
0x9e: {  	_ =	swait.ge [sflag:s22], s20  }
0x9f: {  	s4 =	ssub.s32 $0x0, s20;
	[sflag:s22] =	ssyncset.done $0x0  }
0xa0: {  	[sflag:s22] =	ssyncadd.s32 s4;
	_ =	sdelay $0x1  }
0xa1: {  	s23 =	simm.s32 $0x1B8B  }
0xa2: {  	_ =	swait.ge [sflag:s23], $0x1  }
0xa3: {  	[sflag:s23] =	ssyncset.done $0x0  }
0xa4: {  	s25 =	simm.s32 $0x1B8E;
	s24 =	sld [smem:$0x3FFE];
	[sflag:s23] =	ssyncadd.s32 $0xFFFFFFFF  }
0xa5: {  	s26 =	simm.s32 $execute0_lowered;
	[smem:$0x3FD2] =	sst s25  }
0xa6: {  	s5 =	sshll.u32 s26, $0x1;
	_ =	strace $0x80000046;
	[dreg:$0x1] =	wrdreg $0xFFFFFFFF  }
0xa7: {  	s28 =	simm.s32 $_size_execute0_lowered;
	s3 =	sadd.s32 s3, s5;
	[dreg:$0x0] =	wrdreg $0x0  }
0xa8: {  	s5 =	sshll.u32 s28, $0x1;
	[dreg:$0x2] =	wrdreg s3  }
0xa9: {  	[dreg:$0x3] =	wrdreg s5  }
0xaa: {  	[dreg:$0x4] =	wrdreg $0xC0  }
0xab: {  	_ =	task [dreg:s7], $0x5FFFF  }
0xac: {  	[dreg:$0x1] =	wrdreg $0xFFFFFFFF  }
0xad: {  	[dreg:$0x0] =	wrdreg $0x60  }
0xae: {  	[dreg:$0x2] =	wrdreg s24  }
0xaf: {  	[dreg:$0x3] =	wrdreg s2  }
0xb0: {  	[dreg:$0x4] =	wrdreg $0x9  }
0xb1: {  	_ =	task.clear_ibuf [dreg:s7], $0x5FFFF;
	_ =	strace $0x90000046  }
0xb2: {  	s29 =	simm.s32 $0x9;
	_ =	strace $0x80000048  }
0xb3: {  	_ =	swait.ge [sflag:s29], $0x1  }
0xb4: {  	[sflag:s29] =	ssyncadd.s32 $0xFFFFFFFF  }
0xb5: {  	_ =	strace $0x90000048  }
0xb6: {  	_ =	sfence  }
0xb7: {  	s30 =	sld [smem:$0x0];
	_ =	sdelay $0x2  }
0xb8: {  	s31 =	sshll.u32 s1, $0xD;
	s1 =	sshrl.u32 s1, $0x2  }
0xb9: {  	s3 =	sand.u32 $0x4000, s31;
	s1 =	sadd.s32 s1, s30  }
0xba: {  	s0 =	sor.u32 s3, s0;
	s1 =	sshll.u32 s1, $0x11  }
0xbb: {  	s0 =	sor.u32 s1, s0  }
0xbc: {  	s0 =	sadd.s32 $0x8F2B, s0  }
0xbd: {  	[sflag:s0] =	ssyncadd.remote.s32 $0x1  }
0xbe: {  	_ =	sfence.sel $0xFFFF  }
0xbf: {  	[dreg:$0x0] =	wrdreg $0xFFFFFFFF;
	(pc) =	sbr.abs _section_cstart, $3  }
0xc0: {  	[dreg:$0x1] =	wrdreg $0xFFFFFFFF  }
0xc1: {  	_ =	task.clear_ibuf [dreg:s7], $0x2FFFF;
	_ =	strace $0x9FFFFFFF  }
0xc2: {  	(tm) =	ssettm $0x7FFFFFFF  }
0xc3: {  	_ =	shalt  }
tec
execute0_lowered:
.L_overlay_start_1:
0x0: {  	(tag) =	ssettag $0x1  }
0x1: {  	s4 =	rddreg [dreg:$0x0];
	s1 =	srdreg.scid  }
0x2: {  	s0 =	stileid.u32;
	s9 =	rddreg [dreg:$0x1];
	s2 =	simm.s32 $0x0  }
0x3: {  	s16 =	simm.s32 $0x3200;
	s17 =	simm.s32 $0x1;
	s18 =	simm.s32 $0x5200  }
0x4: {  	s19 =	simm.s32 $0x28;
	s20 =	simm.s32 $0x5228;
	s21 =	simm.s32 $0x0  }
0x5: {  	s5 =	sand.u32 $0x1, s1;
	s3 =	sshll.u32 s0, $0x1;
	[smem:$0x7FF] =	sst s2  }
0x6: {  	s1 =	rddreg [dreg:$0x2];
	s10 =	smul.u32 $0x32000, s0;
	_ =	strace $0x80000047  }
0x7: {  	s6 =	sor.u32 s5, s3;
	s3 =	sadd.s32 $0xF46200, s4;
	s15 =	smul.u32 $0x19000, s5  }
0x8: {  	s13 =	ssub.s32 $0x2, s5;
	s7 =	smul.u32 $0x3200, s6;
	s8 =	sshll.u32 s6, $0x5  }
0x9: {  	s29 =	sshll.u32 s6, $0xB;
	s12 =	smul.u32 $0x140, s6;
	s10 =	sadd.s32 s10, s4  }
0xa: {  	s30 =	sshrl.u32 s13, $0x1;
	s14 =	smul.u32 $0x5, s6;
	s8 =	sadd.s32 s8, s4  }
0xb: {  	s13 =	ssub.s32 s13, s30;
	s31 =	sadd.s32 s15, s10;
	s15 =	simm.s32 $0x80  }
0xc: {  	s7 =	sshrl.u32 s7, $0x3;
	s12 =	sadd.s32 s12, s4;
	s9 =	sadd.s32 s9, s14  }
0xd: {  	s14 =	simm.s32 $0x2;
	s11 =	sadd.s32 s7, s4;
	s7 =	sadd.s32 s29, s4  }
0xe: {  	s4 =	sadd.s32 $0x3C00, s8;
	s10 =	sadd.s32 $0x4000, s12;
	s12 =	sadd.s32 $0x16800, s31  }
0xf: {  	s5 =	sadd.s32 $0x6800, s7;
	s6 =	sadd.s32 $0x6C00, s7;
	s7 =	sadd.s32 $0x390400, s11  }
0x10: {  	s8 =	sadd.s32 $0x383C00, s11;
	s11 =	smax.u32 s13, $0x1;
	s13 =	sadd.s32 $0x39CC00, s31  }
.LBB2_1:
0x11: {  	[tilespmem:s2], [sflag:$0x2] =	stream.linear.gather [hbm4b:s4+s2], $0x100, $0x38;
	[tilespmem:$0x5C28] =	vst v63  }
0x12: {  	_ =	swait.ge [sflag:s14], $0x100  }
0x13: {  	[sflag:s14] =	ssyncset.done $0x0  }
0x14: {  	[sflag:s14] =	ssyncadd.s32 $0xFFFFFF00  }
0x15: {  	[tilespmem:s16], [sflag:$0x1] =	stream.indirect.gather [hbm4b:s3+s15], $0x40, s2, s15, $0xb8;
	[tilespmem:$0x5C28] =	vst v63  }
0x16: {  	_ =	swait.ge [sflag:s17], $0x2000  }
0x17: {  	[sflag:s17] =	ssyncset.done $0x0  }
0x18: {  	[sflag:s17] =	ssyncadd.s32 $0xFFFFE000  }
0x19: {  	[hbm4b:s5+s2] =	stream.linear.scatter [tilespmem:s16], [sflag:$0x2], $0x2000, $0x38;
	[tilespmem:$0x5C28] =	vst v63  }
0x1a: {  	_ =	swait.ge [sflag:s14], $0x2000  }
0x1b: {  	[sflag:s14] =	ssyncset.done $0x0  }
0x1c: {  	[sflag:s14] =	ssyncadd.s32 $0xFFFFE000  }
0x1d: {  	[tilespmem:s16], [sflag:$0x1] =	stream.indirect.gather [hbm4b:s3+s15], $0x40, s15, s15, $0xb8;
	[tilespmem:$0x5C28] =	vst v63  }
0x1e: {  	_ =	swait.ge [sflag:s17], $0x2000  }
0x1f: {  	[sflag:s17] =	ssyncset.done $0x0  }
0x20: {  	[sflag:s17] =	ssyncadd.s32 $0xFFFFE000  }
0x21: {  	[hbm4b:s6+s2] =	stream.linear.scatter [tilespmem:s16], [sflag:$0x2], $0x2000, $0x38;
	[tilespmem:$0x5C28] =	vst v63  }
0x22: {  	_ =	swait.ge [sflag:s14], $0x2000  }
0x23: {  	[sflag:s14] =	ssyncset.done $0x0  }
0x24: {  	[sflag:s14] =	ssyncadd.s32 $0xFFFFE000  }
0x25: {  	[tilespmem:s2], [sflag:$0x2] =	stream.linear.gather [hbm4b:s7+s2], $0x3200, $0x38;
	[tilespmem:$0x5C28] =	vst v63  }
0x26: {  	_ =	swait.ge [sflag:s14], $0x3200  }
0x27: {  	[sflag:s14] =	ssyncset.done $0x0  }
0x28: {  	s22 =	simm.s32 $0x0;
	[sflag:s14] =	ssyncadd.s32 $0xFFFFCE00  }
0x29: {  	[tilespmem:s16], [sflag:$0x1] =	stream.indirect.gather [hbm4b:s3+s15], $0x40, s22, s15, $0xb8;
	[tilespmem:$0x5C28] =	vst v63  }
0x2a: {  	_ =	swait.ge [sflag:s17], $0x2000  }
0x2b: {  	[sflag:s17] =	ssyncset.done $0x0  }
0x2c: {  	[sflag:s17] =	ssyncadd.s32 $0xFFFFE000  }
0x2d: {  	[hbm4b:s12+s2] =	stream.linear.scatter [tilespmem:s16], [sflag:$0x2], $0x2000, $0x38;
	[tilespmem:$0x5C28] =	vst v63  }
0x2e: {  	s23 =	simm.s32 $0x200;
	_ =	swait.ge [sflag:s14], $0x2000  }
0x2f: {  	s24 =	simm.s32 $0x400;
	s22 =	sadd.s32 $0x400, s12;
	[sflag:s14] =	ssyncset.done $0x0  }
.LBB2_2:
0x30: {  	s25 =	sshra.s32 s23, $0x2  }
0x31: {  	[sflag:s14] =	ssyncadd.s32 $0xFFFFE000;
	s23 =	smov.u32 s24;
	s26 =	sadd.s32 $0x200, s24  }
0x32: {  	[tilespmem:s16], [sflag:$0x1] =	stream.indirect.gather [hbm4b:s3+s15], $0x40, s25, s15, $0xb8;
	[tilespmem:$0x5C28] =	vst v63  }
0x33: {  	p0 =	sne.s32 s24, $0xC600;
	_ =	swait.ge [sflag:s17], $0x2000  }
.Ltmp0:
0x34: {  	[sflag:s17] =	ssyncset.done $0x0;
	(pc) =	sbr.rel @p0 .LBB2_2-.Ltmp0, $4  }
0x35: {  	[sflag:s17] =	ssyncadd.s32 $0xFFFFE000  }
0x36: {  	[hbm4b:s22+s2] =	stream.linear.scatter [tilespmem:s16], [sflag:$0x2], $0x2000, $0x38;
	[tilespmem:$0x5C28] =	vst v63  }
0x37: {  	_ =	swait.ge [sflag:s14], $0x2000  }
0x38: {  	s24 =	smov.u32 s26;
	s22 =	sadd.s32 $0x400, s22;
	[sflag:s14] =	ssyncset.done $0x0  }
0x39: {  	s23 =	sshra.s32 s23, $0x2;
	[sflag:s14] =	ssyncadd.s32 $0xFFFFE000  }
0x3a: {  	[tilespmem:s16], [sflag:$0x1] =	stream.indirect.gather [hbm4b:s3+s15], $0x40, s23, s15, $0xb8;
	[tilespmem:$0x5C28] =	vst v63  }
0x3b: {  	_ =	swait.ge [sflag:s17], $0x2000  }
0x3c: {  	[sflag:s17] =	ssyncset.done $0x0  }
0x3d: {  	[sflag:s17] =	ssyncadd.s32 $0xFFFFE000  }
0x3e: {  	[hbm4b:s22+s2] =	stream.linear.scatter [tilespmem:s16], [sflag:$0x2], $0x2000, $0x38;
	[tilespmem:$0x5C28] =	vst v63  }
0x3f: {  	_ =	swait.ge [sflag:s14], $0x2000  }
0x40: {  	[sflag:s14] =	ssyncset.done $0x0  }
0x41: {  	s30 =	simm.s32 $0x0;
	[sflag:s14] =	ssyncadd.s32 $0xFFFFE000  }
0x42: {  	[tilespmem:s30], [sflag:$0x2] =	stream.linear.gather [hbm4b:s8+s30], $0x3200, $0x38;
	[tilespmem:$0x5C28] =	vst v63  }
0x43: {  	_ =	swait.ge [sflag:s14], $0x3200  }
0x44: {  	[sflag:s14] =	ssyncset.done $0x0  }
0x45: {  	s31 =	simm.s32 $0x0;
	[sflag:s14] =	ssyncadd.s32 $0xFFFFCE00  }
0x46: {  	[tilespmem:s16], [sflag:$0x1] =	stream.indirect.gather [hbm4b:s3+s15], $0x40, s31, s15, $0xb8;
	[tilespmem:$0x5C28] =	vst v63  }
0x47: {  	_ =	swait.ge [sflag:s17], $0x2000  }
0x48: {  	[sflag:s17] =	ssyncset.done $0x0  }
0x49: {  	[sflag:s17] =	ssyncadd.s32 $0xFFFFE000  }
0x4a: {  	[hbm4b:s13+s2] =	stream.linear.scatter [tilespmem:s16], [sflag:$0x2], $0x2000, $0x38;
	[tilespmem:$0x5C28] =	vst v63  }
0x4b: {  	s24 =	simm.s32 $0x400;
	_ =	swait.ge [sflag:s14], $0x2000  }
0x4c: {  	s23 =	simm.s32 $0x200;
	s22 =	sadd.s32 $0x400, s13;
	[sflag:s14] =	ssyncset.done $0x0  }
.LBB2_4:
0x4d: {  	s25 =	sshra.s32 s23, $0x2  }
0x4e: {  	[sflag:s14] =	ssyncadd.s32 $0xFFFFE000;
	s23 =	smov.u32 s24;
	s26 =	sadd.s32 $0x200, s24  }
0x4f: {  	[tilespmem:s16], [sflag:$0x1] =	stream.indirect.gather [hbm4b:s3+s15], $0x40, s25, s15, $0xb8;
	[tilespmem:$0x5C28] =	vst v63  }
0x50: {  	p0 =	sne.s32 s24, $0xC600;
	_ =	swait.ge [sflag:s17], $0x2000  }
.Ltmp1:
0x51: {  	[sflag:s17] =	ssyncset.done $0x0;
	(pc) =	sbr.rel @p0 .LBB2_4-.Ltmp1, $4  }
0x52: {  	[sflag:s17] =	ssyncadd.s32 $0xFFFFE000  }
0x53: {  	[hbm4b:s22+s2] =	stream.linear.scatter [tilespmem:s16], [sflag:$0x2], $0x2000, $0x38;
	[tilespmem:$0x5C28] =	vst v63  }
0x54: {  	_ =	swait.ge [sflag:s14], $0x2000  }
0x55: {  	s24 =	smov.u32 s26;
	s22 =	sadd.s32 $0x400, s22;
	[sflag:s14] =	ssyncset.done $0x0  }
0x56: {  	s23 =	sshra.s32 s23, $0x2;
	[sflag:s14] =	ssyncadd.s32 $0xFFFFE000  }
0x57: {  	[tilespmem:s16], [sflag:$0x1] =	stream.indirect.gather [hbm4b:s3+s15], $0x40, s23, s15, $0xb8;
	[tilespmem:$0x5C28] =	vst v63  }
0x58: {  	_ =	swait.ge [sflag:s17], $0x2000  }
0x59: {  	[sflag:s17] =	ssyncset.done $0x0  }
0x5a: {  	[sflag:s17] =	ssyncadd.s32 $0xFFFFE000  }
0x5b: {  	[hbm4b:s22+s2] =	stream.linear.scatter [tilespmem:s16], [sflag:$0x2], $0x2000, $0x38;
	[tilespmem:$0x5C28] =	vst v63  }
0x5c: {  	_ =	swait.ge [sflag:s14], $0x2000  }
0x5d: {  	[sflag:s14] =	ssyncset.done $0x0  }
0x5e: {  	[sflag:s14] =	ssyncadd.s32 $0xFFFFE000  }
0x5f: {  	[tilespmem:s18], [sflag:$0x2] =	stream.linear.gather [hbm4b:s9+s2], $0x28, $0x38;
	[tilespmem:$0x5C28] =	vst v63  }
0x60: {  	_ =	swait.ge [sflag:s14], $0x28  }
0x61: {  	[sflag:s14] =	ssyncset.done $0x0  }
0x62: {  	[sflag:s14] =	ssyncadd.s32 $0xFFFFFFD8  }
0x63: {  	[tilespmem:s20], [sflag:$0x1] =	stream.indirect.gather [hbm4b:s3+s19], $0x40, s18, s19, $0xb8;
	[tilespmem:$0x5C28] =	vst v63  }
0x64: {  	s21 =	sadd.s32 $0x1, s21;
	_ =	swait.ge [sflag:s17], $0xA00  }
0x65: {  	p0 =	sne.s32 s21, s11;
	[sflag:s17] =	ssyncset.done $0x0  }
.Ltmp2:
0x66: {  	[sflag:s17] =	ssyncadd.s32 $0xFFFFF600;
	(pc) =	sbr.rel @p0 .LBB2_1-.Ltmp2, $4  }
0x67: {  	[hbm4b:s10+s2] =	stream.linear.scatter [tilespmem:s20], [sflag:$0x2], $0xA00, $0x38;
	[tilespmem:$0x5C28] =	vst v63  }
0x68: {  	_ =	swait.ge [sflag:s14], $0xA00  }
0x69: {  	[sflag:s14] =	ssyncset.done $0x0  }
0x6a: {  	[sflag:s14] =	ssyncadd.s32 $0xFFFFF600  }
0x6b: {  	_ =	sfence.sel $0x180000  }
0x6c: {  	[bflag:$0x0] =	sbarrier.arrive $0xFFFF  }
0x6d: {  	p0 =	sne.s32 s0, $0x0;
	_ =	strace $0x90000047  }
0x6e: {  	s0 =	sadd.s32 @!p0 $0x100000, s1;
	[bflag:$0x2] =	sbarrier.arrive $0xFFFF  }
0x6f: {  	[sflag:s0] =	ssyncadd.tile.s32 @!p0 $0x1;
	_ =	shalt  }
.Lfunc_end2:
_tile_overlayer_lowered:
.L_overlay_start_2:
0x70: {  	(tag) =	ssettag $0x2  }
0x71: {  	s0 =	rddreg [dreg:$0x0];
	s2 =	stileid.u32  }
0x72: {  	s1 =	rddreg [dreg:$0x1];
	p0 =	sne.s32 s2, $0x0  }
0x73: {  	s3 =	rddreg [dreg:$0x2];
	[bflag:$0x3] =	sbarrier.arrive $0xFFFF;
	s2 =	simm.s32 @!p0 $0x1C02  }
0x74: {  	[timem:s3], [sflag:s2] =	dma.local @!p0 [hbm:s0], s1  }
0x75: {  	s0 =	simm.s32 @!p0 $0x2  }
0x76: {  	_ =	swait.ge @!p0 [sflag:s0], s1  }
0x77: {  	s1 =	ssub.s32 @!p0 $0x0, s1;
	[sflag:s0] =	ssyncset.done @!p0 $0x0  }
0x78: {  	[sflag:s0] =	ssyncadd.s32 @!p0 s1  }
0x79: {  	[bflag:$0x3] =	sbarrier.arrive $0xFFFF  }
0x7a: {  	_ =	shalt  }

</sc_bundles>
